<compile_context>
chip_gen: v7x
topology: tpu7x:2x2x1
jax: 0.10.2.dev20260603
libtpu: 0.0.44.dev20260713+nightly
codegen_flags: <defaults>
</compile_context>

<pallas_src>
import functools

import jax
import jax.numpy as jnp
from jax import lax
from jax.experimental import pallas as pl
from jax.experimental.pallas import tpu as pltpu
from jax.experimental.pallas import tpu_sc as plsc

_NPAD = 10240
_RPT = 640
_CH = 128
_IB = 8
_AB = 32


def _sc_aggregate(xcat, src3, dst3, n_chunks):
    f32 = jnp.float32
    mesh = plsc.VectorSubcoreMesh(core_axis_name="c", subcore_axis_name="s")

    @functools.partial(
        pl.kernel,
        out_type=jax.ShapeDtypeStruct((2, _NPAD, 128), f32),
        mesh=mesh,
        scratch_types=[
            pltpu.VMEM_SHARED((_NPAD, 128), f32),
            pltpu.VMEM((_AB, _CH), jnp.int32),
            pltpu.VMEM((_AB, _CH), jnp.int32),
            pltpu.VMEM((64, 128), f32),
            pltpu.VMEM((64, 128), f32),
            pltpu.VMEM((64, 128), f32),
            pltpu.VMEM((64, 128), f32),
            pltpu.SemaphoreType.DMA,
            pltpu.SemaphoreType.DMA,
            pltpu.SemaphoreType.DMA,
            pltpu.SemaphoreType.DMA,
        ],
    )
    def k(x_hbm, src_hbm, dst_hbm, agg_out,
          acc, src_v, dst_v, gbuf0, gbuf1, gbuf2, gbuf3,
          sem0, sem1, sem2, sem3):
        c = lax.axis_index("c")
        s = lax.axis_index("s")
        row_base = s * _RPT
        chunk_base = s * n_chunks
        gbufs = [gbuf0, gbuf1, gbuf2, gbuf3]
        sems = [sem0, sem1, sem2, sem3]
        nh = 2 * _AB

        def fill_zero(i, carry):
            for q in range(8):
                gbuf0[i, pl.ds(q * 16, 16)] = jnp.zeros((16,), f32)
            return carry
        lax.fori_loop(0, 64, fill_zero, 0)

        def zero_acc(j, carry):
            pltpu.sync_copy(gbuf0, acc.at[pl.ds(row_base + j * 64, 64)])
            return carry
        lax.fori_loop(0, _RPT // 64, zero_acc, 0)

        plsc.subcore_barrier()

        def half_idx(k):
            return k // 2, (k % 2) * 64

        def issue(k, u):
            j, off = half_idx(k)
            pltpu.async_copy(
                x_hbm.at[src_v.at[j, pl.ds(off, 64)]], gbufs[u], sems[u])

        def block(b, carry):
            pltpu.sync_copy(src_hbm.at[c, pl.ds(chunk_base + b * _AB, _AB)], src_v)
            pltpu.sync_copy(dst_hbm.at[pl.ds(chunk_base + b * _AB, _AB)], dst_v)
            for u in range(4):
                issue(u, u)

            def quad(q, carry2):
                for u in range(4):
                    k = q * 4 + u
                    j, off = half_idx(k)
                    pltpu.make_async_copy(
                        x_hbm.at[src_v.at[j, pl.ds(off, 64)]],
                        gbufs[u], sems[u]).wait()
                    pltpu.sync_copy(
                        gbufs[u], acc.at[dst_v.at[j, pl.ds(off, 64)]],
                        add=True)

                    @pl.when(k + 4 < nh)
                    def _():
                        kk = k + 4
                        jj, off2 = half_idx(kk)
                        pltpu.async_copy(
                            x_hbm.at[src_v.at[jj, pl.ds(off2, 64)]],
                            gbufs[u], sems[u])
                return carry2
            lax.fori_loop(0, nh // 4, quad, 0)
            return carry
        lax.fori_loop(0, n_chunks // _AB, block, 0)

        plsc.subcore_barrier()

        rows = pl.ds(row_base, _RPT)
        pltpu.sync_copy(acc.at[rows], agg_out.at[c, rows])

    return k(xcat, src3, dst3)


def _sc_degree(dst6, half_chunks):
    f32 = jnp.float32
    mesh = plsc.VectorSubcoreMesh(core_axis_name="c", subcore_axis_name="s")

    @functools.partial(
        pl.kernel,
        out_type=jax.ShapeDtypeStruct((2, _NPAD, 128), f32),
        mesh=mesh,
        scratch_types=[
            pltpu.VMEM_SHARED((_NPAD, 128), f32),
            pltpu.VMEM((_IB, _CH), jnp.int32),
            pltpu.VMEM((_CH, 128), f32),
        ],
    )
    def k(dst_hbm, deg_out, acc, dst_v, ones_v):
        c = lax.axis_index("c")
        s = lax.axis_index("s")
        row_base = s * _RPT
        chunk_base = s * half_chunks

        def fill(val):
            def body(i, carry):
                for q in range(8):
                    ones_v[i, pl.ds(q * 16, 16)] = jnp.full((16,), val, f32)
                return carry
            lax.fori_loop(0, _CH, body, 0)

        fill(0.0)

        def zero_acc(j, carry):
            pltpu.sync_copy(ones_v, acc.at[pl.ds(row_base + j * _CH, _CH)])
            return carry
        lax.fori_loop(0, _RPT // _CH, zero_acc, 0)

        fill(1.0)
        plsc.subcore_barrier()

        def block(b, carry):
            pltpu.sync_copy(dst_hbm.at[c, pl.ds(chunk_base + b * _IB, _IB)], dst_v)
            for j in range(_IB):
                pltpu.sync_copy(ones_v, acc.at[dst_v.at[j]], add=True)
            return carry
        lax.fori_loop(0, half_chunks // _IB, block, 0)

        plsc.subcore_barrier()

        rows = pl.ds(row_base, _RPT)
        pltpu.sync_copy(acc.at[rows], deg_out.at[c, rows])

    return k(dst6)


def _prep_body(W1, Wg1, W2, Wg2, W3, b1, bg1, b2, bg2, b3,
               A1, B1, A2, B2, c):
    w3a = W3[0:128, :]
    w3b = W3[128:256, :]
    w3c = W3[256:384, :]
    w3d = W3[384:512, :]
    A1[...] = jnp.dot(W1[...], w3a, preferred_element_type=jnp.float32)
    B1[...] = jnp.dot(Wg1[...], w3b, preferred_element_type=jnp.float32)
    A2[...] = jnp.dot(W2[...], w3c, preferred_element_type=jnp.float32)
    B2[...] = jnp.dot(Wg2[...], w3d, preferred_element_type=jnp.float32)
    c[...] = (b3[...]
              + jnp.dot(b1[...], w3a, preferred_element_type=jnp.float32)
              + jnp.dot(bg1[...], w3b, preferred_element_type=jnp.float32)
              + jnp.dot(b2[...], w3c, preferred_element_type=jnp.float32)
              + jnp.dot(bg2[...], w3d, preferred_element_type=jnp.float32))


def _prep(W1, Wg1, W2, Wg2, W3, b1, bg1, b2, bg2, b3):
    f32 = jnp.float32
    return pl.pallas_call(
        _prep_body,
        out_shape=[
            jax.ShapeDtypeStruct((128, 256), f32),
            jax.ShapeDtypeStruct((128, 256), f32),
            jax.ShapeDtypeStruct((128, 256), f32),
            jax.ShapeDtypeStruct((128, 256), f32),
            jax.ShapeDtypeStruct((1, 256), f32),
        ],
    )(W1, Wg1, W2, Wg2, W3,
      b1.reshape(1, 128), bg1.reshape(1, 128),
      b2.reshape(1, 128), bg2.reshape(1, 128), b3.reshape(1, 256))


def _main_body(te, f2, agg, deg, A1, B1, A2, B2, c, out):
    r = 1.0 / jnp.maximum(deg[0] + deg[1], 1.0)
    acc = jnp.dot(te[...], A1[...], preferred_element_type=jnp.float32)
    acc += jnp.dot(f2[...], A2[...], preferred_element_type=jnp.float32)
    acc += jnp.dot(agg[0] * r, B1[...], preferred_element_type=jnp.float32)
    acc += jnp.dot(agg[1] * r, B2[...], preferred_element_type=jnp.float32)
    out[...] = acc + c[...]


def _fused_matmul(te, f2, agg, deg, A1, B1, A2, B2, c):
    n = te.shape[0]
    R = 2000
    grid = (n // R,)
    row_blk = pl.BlockSpec((R, 128), lambda i: (i, 0))
    pair_blk = pl.BlockSpec((2, R, 128), lambda i: (0, i, 0))
    w_blk = pl.BlockSpec((128, 256), lambda i: (0, 0))
    return pl.pallas_call(
        _main_body,
        grid=grid,
        in_specs=[row_blk, row_blk, pair_blk, pair_blk,
                  w_blk, w_blk, w_blk, w_blk,
                  pl.BlockSpec((1, 256), lambda i: (0, 0))],
        out_specs=pl.BlockSpec((R, 256), lambda i: (i, 0)),
        out_shape=jax.ShapeDtypeStruct((n, 256), jnp.float32),
    )(te, f2, agg, deg, A1, B1, A2, B2, c)


def kernel(text_emb, feature_2, edge_index, W_g1, b_g1, W_g2, b_g2,
           W1, b1, W2, b2, W3, b3):
    n = text_emb.shape[0]
    e = edge_index.shape[1]
    src = edge_index[0].astype(jnp.int32)
    dst = edge_index[1].astype(jnp.int32)

    n_chunks = -(-e // (16 * _CH))
    n_chunks = (n_chunks + _AB - 1) // _AB * _AB
    epad = 16 * n_chunks * _CH
    src_p = jnp.concatenate([src, jnp.zeros((epad - e,), jnp.int32)])
    dst_p = jnp.concatenate([dst, jnp.full((epad - e,), n, jnp.int32)])
    src3 = jnp.stack([src_p, src_p + n]).reshape(2, 16 * n_chunks, _CH)
    dst3 = dst_p.reshape(16 * n_chunks, _CH)
    dst6 = dst_p.reshape(2, 8 * n_chunks, _CH)
    xcat = jnp.concatenate([text_emb, feature_2], axis=0)

    agg = _sc_aggregate(xcat, src3, dst3, n_chunks)
    deg = _sc_degree(dst6, n_chunks // 2)

    A1, B1, A2, B2, c = _prep(W1, W_g1, W2, W_g2, W3, b1, b_g1, b2, b_g2, b3)
    return _fused_matmul(text_emb, feature_2, agg, deg, A1, B1, A2, B2, c)

# --- scband reference (transcript-rebuilt; emitter-appended) ---
"""Pipeline reference for scband-dual-encoder-4166118277724 (READ-ONLY COPY).

The authoritative reference and input builder live on the scoring server;
editing this copy changes nothing except your own understanding.
"""

import jax, jax.numpy as jnp
import numpy as np

N_NODES = 10000
N_EDGES = 320000
TEXT_DIM = 128
F2_DIM = 128
OUT_CH = 128
HIDDEN = 256


def setup_inputs(seed: int = 0) -> dict:
    key = jax.random.key(seed)
    ks = jax.random.split(key, 12)
    text_emb = jax.random.normal(ks[0], (N_NODES, TEXT_DIM), dtype=jnp.float32)
    feature_2 = jax.random.normal(ks[1], (N_NODES, F2_DIM), dtype=jnp.float32)
    edge_index = jax.random.randint(ks[2], (2, N_EDGES), 0, N_NODES, dtype=jnp.int64 if jax.config.jax_enable_x64 else jnp.int32)
    s = 1.0 / np.sqrt(TEXT_DIM)
    W_g1 = jax.random.uniform(ks[3], (TEXT_DIM, OUT_CH), minval=-s, maxval=s, dtype=jnp.float32)
    b_g1 = jnp.zeros((OUT_CH,), dtype=jnp.float32)
    W_g2 = jax.random.uniform(ks[4], (F2_DIM, F2_DIM), minval=-s, maxval=s, dtype=jnp.float32)
    b_g2 = jnp.zeros((F2_DIM,), dtype=jnp.float32)
    W1 = jax.random.uniform(ks[5], (TEXT_DIM, OUT_CH), minval=-s, maxval=s, dtype=jnp.float32)
    b1 = jnp.zeros((OUT_CH,), dtype=jnp.float32)
    W2 = jax.random.uniform(ks[6], (F2_DIM, F2_DIM), minval=-s, maxval=s, dtype=jnp.float32)
    b2 = jnp.zeros((F2_DIM,), dtype=jnp.float32)
    cat_dim = 2 * OUT_CH + 2 * F2_DIM
    s3 = 1.0 / np.sqrt(cat_dim)
    W3 = jax.random.uniform(ks[7], (cat_dim, HIDDEN), minval=-s3, maxval=s3, dtype=jnp.float32)
    b3 = jnp.zeros((HIDDEN,), dtype=jnp.float32)
    return {
        "text_emb": text_emb,
        "feature_2": feature_2,
        "edge_index": edge_index,
        "W_g1": W_g1, "b_g1": b_g1,
        "W_g2": W_g2, "b_g2": b_g2,
        "W1": W1, "b1": b1,
        "W2": W2, "b2": b2,
        "W3": W3, "b3": b3,
    }


def _gcn(x, edge_index, W, b):
    # Mean-aggregation GCN-style message passing layer (graph_model stand-in).
    src = edge_index[0]
    dst = edge_index[1]
    n = x.shape[0]
    msgs = jnp.take(x, src, axis=0)                      # gather [E, d]
    agg = jax.ops.segment_sum(msgs, dst, num_segments=n) # scatter-add [N, d]
    deg = jax.ops.segment_sum(jnp.ones((src.shape[0],), dtype=x.dtype), dst, num_segments=n)
    agg = agg / jnp.clip(deg, 1.0)[:, None]
    return agg @ W + b


def reference(text_emb, feature_2, edge_index, W_g1, b_g1, W_g2, b_g2, W1, b1, W2, b2, W3, b3):
    graph_emb1 = _gcn(text_emb, edge_index, W_g1, b_g1)
    graph_emb2 = _gcn(feature_2, edge_index, W_g2, b_g2)
    t = text_emb @ W1 + b1
    f = feature_2 @ W2 + b2
    combined = jnp.concatenate([t, graph_emb1, f, graph_emb2], axis=1)
    return combined @ W3 + b3

if __name__ == "__main__":
    import jax
    _d = setup_inputs()
    print(jax.jit(kernel)(*tuple(_d.values())))

</pallas_src>

<mosaic_0001>
#map = affine_map<(d0, d1) -> (0, 0, 0)>
module attributes {stable_mosaic.version = 14 : i64} {
  func.func @k(%arg0: i32, %arg1: i32, %arg2: memref<2x1280x128xi32, #tpu.memory_space<hbm>>, %arg3: memref<2x10240x128xf32, #tpu.memory_space<hbm>>, %arg4: memref<10240x128xf32, #tpu.memory_space<vmem_shared>>, %arg5: memref<8x128xi32, #tpu.memory_space<vmem>>, %arg6: memref<128x128xf32, #tpu.memory_space<vmem>>) attributes {dimension_semantics = [#tpu.dimension_semantics<core_parallel>, #tpu.dimension_semantics<subcore_parallel>], iteration_bounds = array<i64: 2, 16>, scalar_prefetch = 0 : i64, scratch_operands = 3 : i64, tpu.core_type = #tpu.core_type<sc_vector_subcore>, window_params = [{transform_indices = #map}, {transform_indices = #map}]} {
    %mul3A = arith.constant 640 : i32
    %mul3A_0 = arith.muli %arg1, %mul3A : i32
    %mul3A_1 = arith.constant 80 : i32
    %mul3A_2 = arith.muli %arg1, %mul3A_1 : i32
    %scan3A = arith.constant 0 : i32
    %scan3A_3 = arith.constant 0 : i32
    %scan3A_4 = arith.constant 128 : i32
    %scan3A_5 = arith.addi %scan3A_3, %scan3A_4 : i32
    %scan3A_6 = arith.constant 1 : i32
    scf.for %scan3A_27 = %scan3A_3 to %scan3A_5 step %scan3A_6  : i32 {
      %broadcast_in_dim3A = arith.constant 0.000000e+00 : f32
      %broadcast_in_dim3A_28 = vector.broadcast %broadcast_in_dim3A : f32 to vector<16xf32>
      %swap3A = arith.index_cast %scan3A_27 : i32 to index
      %swap3A_29 = arith.constant 0 : index
      %swap3A_30 = tpu.vector_load %arg6[%swap3A, %swap3A_29] {strides = array<i32>} : memref<128x128xf32, #tpu.memory_space<vmem>>, vector<1x16xf32>,
      %swap3A_31 = vector.shape_cast %swap3A_30 : vector<1x16xf32> to vector<16xf32>
      %swap3A_32 = vector.shape_cast %broadcast_in_dim3A_28 : vector<16xf32> to vector<1x16xf32>
      tpu.vector_store %arg6[%swap3A, %swap3A_29], %swap3A_32 {strides = array<i32>} : memref<128x128xf32, #tpu.memory_space<vmem>>, vector<1x16xf32>,
      %broadcast_in_dim3A_33 = arith.constant 0.000000e+00 : f32
      %broadcast_in_dim3A_34 = vector.broadcast %broadcast_in_dim3A_33 : f32 to vector<16xf32>
      %swap3A_35 = arith.index_cast %scan3A_27 : i32 to index
      %swap3A_36 = arith.constant 16 : index
      %swap3A_37 = tpu.vector_load %arg6[%swap3A_35, %swap3A_36] {strides = array<i32>} : memref<128x128xf32, #tpu.memory_space<vmem>>, vector<1x16xf32>,
      %swap3A_38 = vector.shape_cast %swap3A_37 : vector<1x16xf32> to vector<16xf32>
      %swap3A_39 = vector.shape_cast %broadcast_in_dim3A_34 : vector<16xf32> to vector<1x16xf32>
      tpu.vector_store %arg6[%swap3A_35, %swap3A_36], %swap3A_39 {strides = array<i32>} : memref<128x128xf32, #tpu.memory_space<vmem>>, vector<1x16xf32>,
      %broadcast_in_dim3A_40 = arith.constant 0.000000e+00 : f32
      %broadcast_in_dim3A_41 = vector.broadcast %broadcast_in_dim3A_40 : f32 to vector<16xf32>
      %swap3A_42 = arith.index_cast %scan3A_27 : i32 to index
      %swap3A_43 = arith.constant 32 : index
      %swap3A_44 = tpu.vector_load %arg6[%swap3A_42, %swap3A_43] {strides = array<i32>} : memref<128x128xf32, #tpu.memory_space<vmem>>, vector<1x16xf32>,
      %swap3A_45 = vector.shape_cast %swap3A_44 : vector<1x16xf32> to vector<16xf32>
      %swap3A_46 = vector.shape_cast %broadcast_in_dim3A_41 : vector<16xf32> to vector<1x16xf32>
      tpu.vector_store %arg6[%swap3A_42, %swap3A_43], %swap3A_46 {strides = array<i32>} : memref<128x128xf32, #tpu.memory_space<vmem>>, vector<1x16xf32>,
      %broadcast_in_dim3A_47 = arith.constant 0.000000e+00 : f32
      %broadcast_in_dim3A_48 = vector.broadcast %broadcast_in_dim3A_47 : f32 to vector<16xf32>
      %swap3A_49 = arith.index_cast %scan3A_27 : i32 to index
      %swap3A_50 = arith.constant 48 : index
      %swap3A_51 = tpu.vector_load %arg6[%swap3A_49, %swap3A_50] {strides = array<i32>} : memref<128x128xf32, #tpu.memory_space<vmem>>, vector<1x16xf32>,
      %swap3A_52 = vector.shape_cast %swap3A_51 : vector<1x16xf32> to vector<16xf32>
      %swap3A_53 = vector.shape_cast %broadcast_in_dim3A_48 : vector<16xf32> to vector<1x16xf32>
      tpu.vector_store %arg6[%swap3A_49, %swap3A_50], %swap3A_53 {strides = array<i32>} : memref<128x128xf32, #tpu.memory_space<vmem>>, vector<1x16xf32>,
      %broadcast_in_dim3A_54 = arith.constant 0.000000e+00 : f32
      %broadcast_in_dim3A_55 = vector.broadcast %broadcast_in_dim3A_54 : f32 to vector<16xf32>
      %swap3A_56 = arith.index_cast %scan3A_27 : i32 to index
      %swap3A_57 = arith.constant 64 : index
      %swap3A_58 = tpu.vector_load %arg6[%swap3A_56, %swap3A_57] {strides = array<i32>} : memref<128x128xf32, #tpu.memory_space<vmem>>, vector<1x16xf32>,
      %swap3A_59 = vector.shape_cast %swap3A_58 : vector<1x16xf32> to vector<16xf32>
      %swap3A_60 = vector.shape_cast %broadcast_in_dim3A_55 : vector<16xf32> to vector<1x16xf32>
      tpu.vector_store %arg6[%swap3A_56, %swap3A_57], %swap3A_60 {strides = array<i32>} : memref<128x128xf32, #tpu.memory_space<vmem>>, vector<1x16xf32>,
      %broadcast_in_dim3A_61 = arith.constant 0.000000e+00 : f32
      %broadcast_in_dim3A_62 = vector.broadcast %broadcast_in_dim3A_61 : f32 to vector<16xf32>
      %swap3A_63 = arith.index_cast %scan3A_27 : i32 to index
      %swap3A_64 = arith.constant 80 : index
      %swap3A_65 = tpu.vector_load %arg6[%swap3A_63, %swap3A_64] {strides = array<i32>} : memref<128x128xf32, #tpu.memory_space<vmem>>, vector<1x16xf32>,
      %swap3A_66 = vector.shape_cast %swap3A_65 : vector<1x16xf32> to vector<16xf32>
      %swap3A_67 = vector.shape_cast %broadcast_in_dim3A_62 : vector<16xf32> to vector<1x16xf32>
      tpu.vector_store %arg6[%swap3A_63, %swap3A_64], %swap3A_67 {strides = array<i32>} : memref<128x128xf32, #tpu.memory_space<vmem>>, vector<1x16xf32>,
      %broadcast_in_dim3A_68 = arith.constant 0.000000e+00 : f32
      %broadcast_in_dim3A_69 = vector.broadcast %broadcast_in_dim3A_68 : f32 to vector<16xf32>
      %swap3A_70 = arith.index_cast %scan3A_27 : i32 to index
      %swap3A_71 = arith.constant 96 : index
      %swap3A_72 = tpu.vector_load %arg6[%swap3A_70, %swap3A_71] {strides = array<i32>} : memref<128x128xf32, #tpu.memory_space<vmem>>, vector<1x16xf32>,
      %swap3A_73 = vector.shape_cast %swap3A_72 : vector<1x16xf32> to vector<16xf32>
      %swap3A_74 = vector.shape_cast %broadcast_in_dim3A_69 : vector<16xf32> to vector<1x16xf32>
      tpu.vector_store %arg6[%swap3A_70, %swap3A_71], %swap3A_74 {strides = array<i32>} : memref<128x128xf32, #tpu.memory_space<vmem>>, vector<1x16xf32>,
      %broadcast_in_dim3A_75 = arith.constant 0.000000e+00 : f32
      %broadcast_in_dim3A_76 = vector.broadcast %broadcast_in_dim3A_75 : f32 to vector<16xf32>
      %swap3A_77 = arith.index_cast %scan3A_27 : i32 to index
      %swap3A_78 = arith.constant 112 : index
      %swap3A_79 = tpu.vector_load %arg6[%swap3A_77, %swap3A_78] {strides = array<i32>} : memref<128x128xf32, #tpu.memory_space<vmem>>, vector<1x16xf32>,
      %swap3A_80 = vector.shape_cast %swap3A_79 : vector<1x16xf32> to vector<16xf32>
      %swap3A_81 = vector.shape_cast %broadcast_in_dim3A_76 : vector<16xf32> to vector<1x16xf32>
      tpu.vector_store %arg6[%swap3A_77, %swap3A_78], %swap3A_81 {strides = array<i32>} : memref<128x128xf32, #tpu.memory_space<vmem>>, vector<1x16xf32>,
    }
    %scan3A_7 = arith.constant 128 : i32
    %scan3A_8 = arith.constant 0 : i32
    %scan3A_9 = arith.constant 0 : i32
    %scan3A_10 = arith.constant 5 : i32
    %scan3A_11 = arith.addi %scan3A_9, %scan3A_10 : i32
    %scan3A_12 = arith.constant 1 : i32
    scf.for %scan3A_27 = %scan3A_9 to %scan3A_11 step %scan3A_12  : i32 {
      %mul3A_28 = arith.constant 128 : i32
      %mul3A_29 = arith.muli %scan3A_27, %mul3A_28 : i32
      %add3A = arith.addi %mul3A_0, %mul3A_29 : i32
      "tpu.region"() ({
        %run_scoped3A = tpu.sem_alloc : memref<!tpu.dma_semaphore, #tpu.memory_space<semaphore_mem>>
        %dma_start3A = arith.constant 0 : i32
        %dma_start3A_30 = tpu.memref_slice %arg4[%add3A, %dma_start3A] : memref<10240x128xf32, #tpu.memory_space<vmem_shared>> -> memref<128x128xf32, #tpu.memory_space<vmem_shared>>
        %dma_start3A_31 = arith.constant 0 : i32
        %dma_start3A_32 = tpu.memref_slice %arg4[%add3A, %dma_start3A_31] : memref<10240x128xf32, #tpu.memory_space<vmem_shared>> -> memref<128x128xf32, #tpu.memory_space<vmem_shared>>
        tpu.enqueue_dma source(%arg6 : memref<128x128xf32, #tpu.memory_space<vmem>>) target(%dma_start3A_32 : memref<128x128xf32, #tpu.memory_space<vmem_shared>>) target_semaphore(%run_scoped3A : memref<!tpu.dma_semaphore, #tpu.memory_space<semaphore_mem>>)
        %dma_wait3A = arith.constant 0 : i32
        %dma_wait3A_33 = tpu.memref_slice %arg4[%add3A, %dma_wait3A] : memref<10240x128xf32, #tpu.memory_space<vmem_shared>> -> memref<128x128xf32, #tpu.memory_space<vmem_shared>>
        %dma_wait3A_34 = arith.constant 0 : i32
        %dma_wait3A_35 = tpu.memref_slice %arg4[%add3A, %dma_wait3A_34] : memref<10240x128xf32, #tpu.memory_space<vmem_shared>> -> memref<128x128xf32, #tpu.memory_space<vmem_shared>>
        tpu.wait_dma2 semaphore(%run_scoped3A : memref<!tpu.dma_semaphore, #tpu.memory_space<semaphore_mem>>) src(%arg6 : memref<128x128xf32, #tpu.memory_space<vmem>>) dst(%dma_wait3A_35 : memref<128x128xf32, #tpu.memory_space<vmem_shared>>)
        tpu.yield
      }) : () -> ()
    }
    %scan3A_13 = arith.constant 5 : i32
    %scan3A_14 = arith.constant 0 : i32
    %scan3A_15 = arith.constant 0 : i32
    %scan3A_16 = arith.constant 128 : i32
    %scan3A_17 = arith.addi %scan3A_15, %scan3A_16 : i32
    %scan3A_18 = arith.constant 1 : i32
    scf.for %scan3A_27 = %scan3A_15 to %scan3A_17 step %scan3A_18  : i32 {
      %broadcast_in_dim3A = arith.constant 1.000000e+00 : f32
      %broadcast_in_dim3A_28 = vector.broadcast %broadcast_in_dim3A : f32 to vector<16xf32>
      %swap3A = arith.index_cast %scan3A_27 : i32 to index
      %swap3A_29 = arith.constant 0 : index
      %swap3A_30 = tpu.vector_load %arg6[%swap3A, %swap3A_29] {strides = array<i32>} : memref<128x128xf32, #tpu.memory_space<vmem>>, vector<1x16xf32>,
      %swap3A_31 = vector.shape_cast %swap3A_30 : vector<1x16xf32> to vector<16xf32>
      %swap3A_32 = vector.shape_cast %broadcast_in_dim3A_28 : vector<16xf32> to vector<1x16xf32>
      tpu.vector_store %arg6[%swap3A, %swap3A_29], %swap3A_32 {strides = array<i32>} : memref<128x128xf32, #tpu.memory_space<vmem>>, vector<1x16xf32>,
      %broadcast_in_dim3A_33 = arith.constant 1.000000e+00 : f32
      %broadcast_in_dim3A_34 = vector.broadcast %broadcast_in_dim3A_33 : f32 to vector<16xf32>
      %swap3A_35 = arith.index_cast %scan3A_27 : i32 to index
      %swap3A_36 = arith.constant 16 : index
      %swap3A_37 = tpu.vector_load %arg6[%swap3A_35, %swap3A_36] {strides = array<i32>} : memref<128x128xf32, #tpu.memory_space<vmem>>, vector<1x16xf32>,
      %swap3A_38 = vector.shape_cast %swap3A_37 : vector<1x16xf32> to vector<16xf32>
      %swap3A_39 = vector.shape_cast %broadcast_in_dim3A_34 : vector<16xf32> to vector<1x16xf32>
      tpu.vector_store %arg6[%swap3A_35, %swap3A_36], %swap3A_39 {strides = array<i32>} : memref<128x128xf32, #tpu.memory_space<vmem>>, vector<1x16xf32>,
      %broadcast_in_dim3A_40 = arith.constant 1.000000e+00 : f32
      %broadcast_in_dim3A_41 = vector.broadcast %broadcast_in_dim3A_40 : f32 to vector<16xf32>
      %swap3A_42 = arith.index_cast %scan3A_27 : i32 to index
      %swap3A_43 = arith.constant 32 : index
      %swap3A_44 = tpu.vector_load %arg6[%swap3A_42, %swap3A_43] {strides = array<i32>} : memref<128x128xf32, #tpu.memory_space<vmem>>, vector<1x16xf32>,
      %swap3A_45 = vector.shape_cast %swap3A_44 : vector<1x16xf32> to vector<16xf32>
      %swap3A_46 = vector.shape_cast %broadcast_in_dim3A_41 : vector<16xf32> to vector<1x16xf32>
      tpu.vector_store %arg6[%swap3A_42, %swap3A_43], %swap3A_46 {strides = array<i32>} : memref<128x128xf32, #tpu.memory_space<vmem>>, vector<1x16xf32>,
      %broadcast_in_dim3A_47 = arith.constant 1.000000e+00 : f32
      %broadcast_in_dim3A_48 = vector.broadcast %broadcast_in_dim3A_47 : f32 to vector<16xf32>
      %swap3A_49 = arith.index_cast %scan3A_27 : i32 to index
      %swap3A_50 = arith.constant 48 : index
      %swap3A_51 = tpu.vector_load %arg6[%swap3A_49, %swap3A_50] {strides = array<i32>} : memref<128x128xf32, #tpu.memory_space<vmem>>, vector<1x16xf32>,
      %swap3A_52 = vector.shape_cast %swap3A_51 : vector<1x16xf32> to vector<16xf32>
      %swap3A_53 = vector.shape_cast %broadcast_in_dim3A_48 : vector<16xf32> to vector<1x16xf32>
      tpu.vector_store %arg6[%swap3A_49, %swap3A_50], %swap3A_53 {strides = array<i32>} : memref<128x128xf32, #tpu.memory_space<vmem>>, vector<1x16xf32>,
      %broadcast_in_dim3A_54 = arith.constant 1.000000e+00 : f32
      %broadcast_in_dim3A_55 = vector.broadcast %broadcast_in_dim3A_54 : f32 to vector<16xf32>
      %swap3A_56 = arith.index_cast %scan3A_27 : i32 to index
      %swap3A_57 = arith.constant 64 : index
      %swap3A_58 = tpu.vector_load %arg6[%swap3A_56, %swap3A_57] {strides = array<i32>} : memref<128x128xf32, #tpu.memory_space<vmem>>, vector<1x16xf32>,
      %swap3A_59 = vector.shape_cast %swap3A_58 : vector<1x16xf32> to vector<16xf32>
      %swap3A_60 = vector.shape_cast %broadcast_in_dim3A_55 : vector<16xf32> to vector<1x16xf32>
      tpu.vector_store %arg6[%swap3A_56, %swap3A_57], %swap3A_60 {strides = array<i32>} : memref<128x128xf32, #tpu.memory_space<vmem>>, vector<1x16xf32>,
      %broadcast_in_dim3A_61 = arith.constant 1.000000e+00 : f32
      %broadcast_in_dim3A_62 = vector.broadcast %broadcast_in_dim3A_61 : f32 to vector<16xf32>
      %swap3A_63 = arith.index_cast %scan3A_27 : i32 to index
      %swap3A_64 = arith.constant 80 : index
      %swap3A_65 = tpu.vector_load %arg6[%swap3A_63, %swap3A_64] {strides = array<i32>} : memref<128x128xf32, #tpu.memory_space<vmem>>, vector<1x16xf32>,
      %swap3A_66 = vector.shape_cast %swap3A_65 : vector<1x16xf32> to vector<16xf32>
      %swap3A_67 = vector.shape_cast %broadcast_in_dim3A_62 : vector<16xf32> to vector<1x16xf32>
      tpu.vector_store %arg6[%swap3A_63, %swap3A_64], %swap3A_67 {strides = array<i32>} : memref<128x128xf32, #tpu.memory_space<vmem>>, vector<1x16xf32>,
      %broadcast_in_dim3A_68 = arith.constant 1.000000e+00 : f32
      %broadcast_in_dim3A_69 = vector.broadcast %broadcast_in_dim3A_68 : f32 to vector<16xf32>
      %swap3A_70 = arith.index_cast %scan3A_27 : i32 to index
      %swap3A_71 = arith.constant 96 : index
      %swap3A_72 = tpu.vector_load %arg6[%swap3A_70, %swap3A_71] {strides = array<i32>} : memref<128x128xf32, #tpu.memory_space<vmem>>, vector<1x16xf32>,
      %swap3A_73 = vector.shape_cast %swap3A_72 : vector<1x16xf32> to vector<16xf32>
      %swap3A_74 = vector.shape_cast %broadcast_in_dim3A_69 : vector<16xf32> to vector<1x16xf32>
      tpu.vector_store %arg6[%swap3A_70, %swap3A_71], %swap3A_74 {strides = array<i32>} : memref<128x128xf32, #tpu.memory_space<vmem>>, vector<1x16xf32>,
      %broadcast_in_dim3A_75 = arith.constant 1.000000e+00 : f32
      %broadcast_in_dim3A_76 = vector.broadcast %broadcast_in_dim3A_75 : f32 to vector<16xf32>
      %swap3A_77 = arith.index_cast %scan3A_27 : i32 to index
      %swap3A_78 = arith.constant 112 : index
      %swap3A_79 = tpu.vector_load %arg6[%swap3A_77, %swap3A_78] {strides = array<i32>} : memref<128x128xf32, #tpu.memory_space<vmem>>, vector<1x16xf32>,
      %swap3A_80 = vector.shape_cast %swap3A_79 : vector<1x16xf32> to vector<16xf32>
      %swap3A_81 = vector.shape_cast %broadcast_in_dim3A_76 : vector<16xf32> to vector<1x16xf32>
      tpu.vector_store %arg6[%swap3A_77, %swap3A_78], %swap3A_81 {strides = array<i32>} : memref<128x128xf32, #tpu.memory_space<vmem>>, vector<1x16xf32>,
    }
    %scan3A_19 = arith.constant 128 : i32
    %barrier3A = arith.constant 0 : index
    tpu.barrier barrier_id(%barrier3A)
    %scan3A_20 = arith.constant 0 : i32
    %scan3A_21 = arith.constant 0 : i32
    %scan3A_22 = arith.constant 10 : i32
    %scan3A_23 = arith.addi %scan3A_21, %scan3A_22 : i32
    %scan3A_24 = arith.constant 1 : i32
    scf.for %scan3A_27 = %scan3A_21 to %scan3A_23 step %scan3A_24  : i32 {
      %mul3A_28 = arith.constant 8 : i32
      %mul3A_29 = arith.muli %scan3A_27, %mul3A_28 : i32
      %add3A = arith.addi %mul3A_2, %mul3A_29 : i32
      "tpu.region"() ({
        %run_scoped3A_37 = tpu.sem_alloc : memref<!tpu.dma_semaphore, #tpu.memory_space<semaphore_mem>>
        %dma_start3A = arith.constant 0 : i32
        %dma_start3A_38 = tpu.memref_slice %arg2[%arg0, %add3A, %dma_start3A] : memref<2x1280x128xi32, #tpu.memory_space<hbm>> -> memref<1x8x128xi32, #tpu.memory_space<hbm>>
        %dma_start3A_39 = tpu.memref_squeeze %dma_start3A_38 : memref<1x8x128xi32, #tpu.memory_space<hbm>> -> memref<8x128xi32, #tpu.memory_space<hbm>>
        %dma_start3A_40 = arith.constant 0 : i32
        %dma_start3A_41 = tpu.memref_slice %arg2[%arg0, %add3A, %dma_start3A_40] : memref<2x1280x128xi32, #tpu.memory_space<hbm>> -> memref<1x8x128xi32, #tpu.memory_space<hbm>>
        %dma_start3A_42 = tpu.memref_squeeze %dma_start3A_41 : memref<1x8x128xi32, #tpu.memory_space<hbm>> -> memref<8x128xi32, #tpu.memory_space<hbm>>
        tpu.enqueue_dma source(%dma_start3A_42 : memref<8x128xi32, #tpu.memory_space<hbm>>) target(%arg5 : memref<8x128xi32, #tpu.memory_space<vmem>>) target_semaphore(%run_scoped3A_37 : memref<!tpu.dma_semaphore, #tpu.memory_space<semaphore_mem>>)
        %dma_wait3A = arith.constant 0 : i32
        %dma_wait3A_43 = tpu.memref_slice %arg2[%arg0, %add3A, %dma_wait3A] : memref<2x1280x128xi32, #tpu.memory_space<hbm>> -> memref<1x8x128xi32, #tpu.memory_space<hbm>>
        %dma_wait3A_44 = tpu.memref_squeeze %dma_wait3A_43 : memref<1x8x128xi32, #tpu.memory_space<hbm>> -> memref<8x128xi32, #tpu.memory_space<hbm>>
        %dma_wait3A_45 = arith.constant 0 : i32
        %dma_wait3A_46 = tpu.memref_slice %arg2[%arg0, %add3A, %dma_wait3A_45] : memref<2x1280x128xi32, #tpu.memory_space<hbm>> -> memref<1x8x128xi32, #tpu.memory_space<hbm>>
        %dma_wait3A_47 = tpu.memref_squeeze %dma_wait3A_46 : memref<1x8x128xi32, #tpu.memory_space<hbm>> -> memref<8x128xi32, #tpu.memory_space<hbm>>
        tpu.wait_dma2 semaphore(%run_scoped3A_37 : memref<!tpu.dma_semaphore, #tpu.memory_space<semaphore_mem>>) src(%dma_wait3A_47 : memref<8x128xi32, #tpu.memory_space<hbm>>) dst(%arg5 : memref<8x128xi32, #tpu.memory_space<vmem>>)
        tpu.yield
      }) : () -> ()
      %run_scoped3A = arith.constant 0 : i32
      "tpu.region"() ({
        %run_scoped3A_37 = tpu.sem_alloc : memref<!tpu.dma_semaphore, #tpu.memory_space<semaphore_mem>>
        %dma_start3A = arith.constant 0 : i32
        %dma_start3A_38 = tpu.memref_slice %arg5[%run_scoped3A, %dma_start3A] : memref<8x128xi32, #tpu.memory_space<vmem>> -> memref<1x128xi32, #tpu.memory_space<vmem>>
        %dma_start3A_39 = tpu.memref_squeeze %dma_start3A_38 : memref<1x128xi32, #tpu.memory_space<vmem>> -> memref<128xi32, #tpu.memory_space<vmem>>
        %dma_start3A_40 = arith.constant 0 : i32
        %dma_start3A_41 = arith.constant 0 : i32
        %dma_start3A_42 = tpu.memref_slice %arg4[%dma_start3A_40, %dma_start3A_41] : memref<10240x128xf32, #tpu.memory_space<vmem_shared>> -> memref<10240x128xf32, #tpu.memory_space<vmem_shared>>
        tpu.enqueue_indirect_dma source(%arg6 : memref<128x128xf32, #tpu.memory_space<vmem>>) target(%dma_start3A_42 : memref<10240x128xf32, #tpu.memory_space<vmem_shared>>) offsets(%dma_start3A_39 : memref<128xi32, #tpu.memory_space<vmem>>) semaphore(%run_scoped3A_37 : memref<!tpu.dma_semaphore, #tpu.memory_space<semaphore_mem>>) {add = true}
        %dma_wait3A = arith.constant 0 : i32
        %dma_wait3A_43 = tpu.memref_slice %arg5[%run_scoped3A, %dma_wait3A] : memref<8x128xi32, #tpu.memory_space<vmem>> -> memref<1x128xi32, #tpu.memory_space<vmem>>
        %dma_wait3A_44 = tpu.memref_squeeze %dma_wait3A_43 : memref<1x128xi32, #tpu.memory_space<vmem>> -> memref<128xi32, #tpu.memory_space<vmem>>
        %dma_wait3A_45 = arith.constant 0 : i32
        %dma_wait3A_46 = arith.constant 0 : i32
        %dma_wait3A_47 = tpu.memref_slice %arg4[%dma_wait3A_45, %dma_wait3A_46] : memref<10240x128xf32, #tpu.memory_space<vmem_shared>> -> memref<10240x128xf32, #tpu.memory_space<vmem_shared>>
        tpu.wait_indirect_dma semaphore(%run_scoped3A_37 : memref<!tpu.dma_semaphore, #tpu.memory_space<semaphore_mem>>) src(%arg6 : memref<128x128xf32, #tpu.memory_space<vmem>>) dst(%dma_wait3A_47 : memref<10240x128xf32, #tpu.memory_space<vmem_shared>>)
        tpu.yield
      }) : () -> ()
      %run_scoped3A_30 = arith.constant 1 : i32
      "tpu.region"() ({
        %run_scoped3A_37 = tpu.sem_alloc : memref<!tpu.dma_semaphore, #tpu.memory_space<semaphore_mem>>
        %dma_start3A = arith.constant 0 : i32
        %dma_start3A_38 = tpu.memref_slice %arg5[%run_scoped3A_30, %dma_start3A] : memref<8x128xi32, #tpu.memory_space<vmem>> -> memref<1x128xi32, #tpu.memory_space<vmem>>
        %dma_start3A_39 = tpu.memref_squeeze %dma_start3A_38 : memref<1x128xi32, #tpu.memory_space<vmem>> -> memref<128xi32, #tpu.memory_space<vmem>>
        %dma_start3A_40 = arith.constant 0 : i32
        %dma_start3A_41 = arith.constant 0 : i32
        %dma_start3A_42 = tpu.memref_slice %arg4[%dma_start3A_40, %dma_start3A_41] : memref<10240x128xf32, #tpu.memory_space<vmem_shared>> -> memref<10240x128xf32, #tpu.memory_space<vmem_shared>>
        tpu.enqueue_indirect_dma source(%arg6 : memref<128x128xf32, #tpu.memory_space<vmem>>) target(%dma_start3A_42 : memref<10240x128xf32, #tpu.memory_space<vmem_shared>>) offsets(%dma_start3A_39 : memref<128xi32, #tpu.memory_space<vmem>>) semaphore(%run_scoped3A_37 : memref<!tpu.dma_semaphore, #tpu.memory_space<semaphore_mem>>) {add = true}
        %dma_wait3A = arith.constant 0 : i32
        %dma_wait3A_43 = tpu.memref_slice %arg5[%run_scoped3A_30, %dma_wait3A] : memref<8x128xi32, #tpu.memory_space<vmem>> -> memref<1x128xi32, #tpu.memory_space<vmem>>
        %dma_wait3A_44 = tpu.memref_squeeze %dma_wait3A_43 : memref<1x128xi32, #tpu.memory_space<vmem>> -> memref<128xi32, #tpu.memory_space<vmem>>
        %dma_wait3A_45 = arith.constant 0 : i32
        %dma_wait3A_46 = arith.constant 0 : i32
        %dma_wait3A_47 = tpu.memref_slice %arg4[%dma_wait3A_45, %dma_wait3A_46] : memref<10240x128xf32, #tpu.memory_space<vmem_shared>> -> memref<10240x128xf32, #tpu.memory_space<vmem_shared>>
        tpu.wait_indirect_dma semaphore(%run_scoped3A_37 : memref<!tpu.dma_semaphore, #tpu.memory_space<semaphore_mem>>) src(%arg6 : memref<128x128xf32, #tpu.memory_space<vmem>>) dst(%dma_wait3A_47 : memref<10240x128xf32, #tpu.memory_space<vmem_shared>>)
        tpu.yield
      }) : () -> ()
      %run_scoped3A_31 = arith.constant 2 : i32
      "tpu.region"() ({
        %run_scoped3A_37 = tpu.sem_alloc : memref<!tpu.dma_semaphore, #tpu.memory_space<semaphore_mem>>
        %dma_start3A = arith.constant 0 : i32
        %dma_start3A_38 = tpu.memref_slice %arg5[%run_scoped3A_31, %dma_start3A] : memref<8x128xi32, #tpu.memory_space<vmem>> -> memref<1x128xi32, #tpu.memory_space<vmem>>
        %dma_start3A_39 = tpu.memref_squeeze %dma_start3A_38 : memref<1x128xi32, #tpu.memory_space<vmem>> -> memref<128xi32, #tpu.memory_space<vmem>>
        %dma_start3A_40 = arith.constant 0 : i32
        %dma_start3A_41 = arith.constant 0 : i32
        %dma_start3A_42 = tpu.memref_slice %arg4[%dma_start3A_40, %dma_start3A_41] : memref<10240x128xf32, #tpu.memory_space<vmem_shared>> -> memref<10240x128xf32, #tpu.memory_space<vmem_shared>>
        tpu.enqueue_indirect_dma source(%arg6 : memref<128x128xf32, #tpu.memory_space<vmem>>) target(%dma_start3A_42 : memref<10240x128xf32, #tpu.memory_space<vmem_shared>>) offsets(%dma_start3A_39 : memref<128xi32, #tpu.memory_space<vmem>>) semaphore(%run_scoped3A_37 : memref<!tpu.dma_semaphore, #tpu.memory_space<semaphore_mem>>) {add = true}
        %dma_wait3A = arith.constant 0 : i32
        %dma_wait3A_43 = tpu.memref_slice %arg5[%run_scoped3A_31, %dma_wait3A] : memref<8x128xi32, #tpu.memory_space<vmem>> -> memref<1x128xi32, #tpu.memory_space<vmem>>
        %dma_wait3A_44 = tpu.memref_squeeze %dma_wait3A_43 : memref<1x128xi32, #tpu.memory_space<vmem>> -> memref<128xi32, #tpu.memory_space<vmem>>
        %dma_wait3A_45 = arith.constant 0 : i32
        %dma_wait3A_46 = arith.constant 0 : i32
        %dma_wait3A_47 = tpu.memref_slice %arg4[%dma_wait3A_45, %dma_wait3A_46] : memref<10240x128xf32, #tpu.memory_space<vmem_shared>> -> memref<10240x128xf32, #tpu.memory_space<vmem_shared>>
        tpu.wait_indirect_dma semaphore(%run_scoped3A_37 : memref<!tpu.dma_semaphore, #tpu.memory_space<semaphore_mem>>) src(%arg6 : memref<128x128xf32, #tpu.memory_space<vmem>>) dst(%dma_wait3A_47 : memref<10240x128xf32, #tpu.memory_space<vmem_shared>>)
        tpu.yield
      }) : () -> ()
      %run_scoped3A_32 = arith.constant 3 : i32
      "tpu.region"() ({
        %run_scoped3A_37 = tpu.sem_alloc : memref<!tpu.dma_semaphore, #tpu.memory_space<semaphore_mem>>
        %dma_start3A = arith.constant 0 : i32
        %dma_start3A_38 = tpu.memref_slice %arg5[%run_scoped3A_32, %dma_start3A] : memref<8x128xi32, #tpu.memory_space<vmem>> -> memref<1x128xi32, #tpu.memory_space<vmem>>
        %dma_start3A_39 = tpu.memref_squeeze %dma_start3A_38 : memref<1x128xi32, #tpu.memory_space<vmem>> -> memref<128xi32, #tpu.memory_space<vmem>>
        %dma_start3A_40 = arith.constant 0 : i32
        %dma_start3A_41 = arith.constant 0 : i32
        %dma_start3A_42 = tpu.memref_slice %arg4[%dma_start3A_40, %dma_start3A_41] : memref<10240x128xf32, #tpu.memory_space<vmem_shared>> -> memref<10240x128xf32, #tpu.memory_space<vmem_shared>>
        tpu.enqueue_indirect_dma source(%arg6 : memref<128x128xf32, #tpu.memory_space<vmem>>) target(%dma_start3A_42 : memref<10240x128xf32, #tpu.memory_space<vmem_shared>>) offsets(%dma_start3A_39 : memref<128xi32, #tpu.memory_space<vmem>>) semaphore(%run_scoped3A_37 : memref<!tpu.dma_semaphore, #tpu.memory_space<semaphore_mem>>) {add = true}
        %dma_wait3A = arith.constant 0 : i32
        %dma_wait3A_43 = tpu.memref_slice %arg5[%run_scoped3A_32, %dma_wait3A] : memref<8x128xi32, #tpu.memory_space<vmem>> -> memref<1x128xi32, #tpu.memory_space<vmem>>
        %dma_wait3A_44 = tpu.memref_squeeze %dma_wait3A_43 : memref<1x128xi32, #tpu.memory_space<vmem>> -> memref<128xi32, #tpu.memory_space<vmem>>
        %dma_wait3A_45 = arith.constant 0 : i32
        %dma_wait3A_46 = arith.constant 0 : i32
        %dma_wait3A_47 = tpu.memref_slice %arg4[%dma_wait3A_45, %dma_wait3A_46] : memref<10240x128xf32, #tpu.memory_space<vmem_shared>> -> memref<10240x128xf32, #tpu.memory_space<vmem_shared>>
        tpu.wait_indirect_dma semaphore(%run_scoped3A_37 : memref<!tpu.dma_semaphore, #tpu.memory_space<semaphore_mem>>) src(%arg6 : memref<128x128xf32, #tpu.memory_space<vmem>>) dst(%dma_wait3A_47 : memref<10240x128xf32, #tpu.memory_space<vmem_shared>>)
        tpu.yield
      }) : () -> ()
      %run_scoped3A_33 = arith.constant 4 : i32
      "tpu.region"() ({
        %run_scoped3A_37 = tpu.sem_alloc : memref<!tpu.dma_semaphore, #tpu.memory_space<semaphore_mem>>
        %dma_start3A = arith.constant 0 : i32
        %dma_start3A_38 = tpu.memref_slice %arg5[%run_scoped3A_33, %dma_start3A] : memref<8x128xi32, #tpu.memory_space<vmem>> -> memref<1x128xi32, #tpu.memory_space<vmem>>
        %dma_start3A_39 = tpu.memref_squeeze %dma_start3A_38 : memref<1x128xi32, #tpu.memory_space<vmem>> -> memref<128xi32, #tpu.memory_space<vmem>>
        %dma_start3A_40 = arith.constant 0 : i32
        %dma_start3A_41 = arith.constant 0 : i32
        %dma_start3A_42 = tpu.memref_slice %arg4[%dma_start3A_40, %dma_start3A_41] : memref<10240x128xf32, #tpu.memory_space<vmem_shared>> -> memref<10240x128xf32, #tpu.memory_space<vmem_shared>>
        tpu.enqueue_indirect_dma source(%arg6 : memref<128x128xf32, #tpu.memory_space<vmem>>) target(%dma_start3A_42 : memref<10240x128xf32, #tpu.memory_space<vmem_shared>>) offsets(%dma_start3A_39 : memref<128xi32, #tpu.memory_space<vmem>>) semaphore(%run_scoped3A_37 : memref<!tpu.dma_semaphore, #tpu.memory_space<semaphore_mem>>) {add = true}
        %dma_wait3A = arith.constant 0 : i32
        %dma_wait3A_43 = tpu.memref_slice %arg5[%run_scoped3A_33, %dma_wait3A] : memref<8x128xi32, #tpu.memory_space<vmem>> -> memref<1x128xi32, #tpu.memory_space<vmem>>
        %dma_wait3A_44 = tpu.memref_squeeze %dma_wait3A_43 : memref<1x128xi32, #tpu.memory_space<vmem>> -> memref<128xi32, #tpu.memory_space<vmem>>
        %dma_wait3A_45 = arith.constant 0 : i32
        %dma_wait3A_46 = arith.constant 0 : i32
        %dma_wait3A_47 = tpu.memref_slice %arg4[%dma_wait3A_45, %dma_wait3A_46] : memref<10240x128xf32, #tpu.memory_space<vmem_shared>> -> memref<10240x128xf32, #tpu.memory_space<vmem_shared>>
        tpu.wait_indirect_dma semaphore(%run_scoped3A_37 : memref<!tpu.dma_semaphore, #tpu.memory_space<semaphore_mem>>) src(%arg6 : memref<128x128xf32, #tpu.memory_space<vmem>>) dst(%dma_wait3A_47 : memref<10240x128xf32, #tpu.memory_space<vmem_shared>>)
        tpu.yield
      }) : () -> ()
      %run_scoped3A_34 = arith.constant 5 : i32
      "tpu.region"() ({
        %run_scoped3A_37 = tpu.sem_alloc : memref<!tpu.dma_semaphore, #tpu.memory_space<semaphore_mem>>
        %dma_start3A = arith.constant 0 : i32
        %dma_start3A_38 = tpu.memref_slice %arg5[%run_scoped3A_34, %dma_start3A] : memref<8x128xi32, #tpu.memory_space<vmem>> -> memref<1x128xi32, #tpu.memory_space<vmem>>
        %dma_start3A_39 = tpu.memref_squeeze %dma_start3A_38 : memref<1x128xi32, #tpu.memory_space<vmem>> -> memref<128xi32, #tpu.memory_space<vmem>>
        %dma_start3A_40 = arith.constant 0 : i32
        %dma_start3A_41 = arith.constant 0 : i32
        %dma_start3A_42 = tpu.memref_slice %arg4[%dma_start3A_40, %dma_start3A_41] : memref<10240x128xf32, #tpu.memory_space<vmem_shared>> -> memref<10240x128xf32, #tpu.memory_space<vmem_shared>>
        tpu.enqueue_indirect_dma source(%arg6 : memref<128x128xf32, #tpu.memory_space<vmem>>) target(%dma_start3A_42 : memref<10240x128xf32, #tpu.memory_space<vmem_shared>>) offsets(%dma_start3A_39 : memref<128xi32, #tpu.memory_space<vmem>>) semaphore(%run_scoped3A_37 : memref<!tpu.dma_semaphore, #tpu.memory_space<semaphore_mem>>) {add = true}
        %dma_wait3A = arith.constant 0 : i32
        %dma_wait3A_43 = tpu.memref_slice %arg5[%run_scoped3A_34, %dma_wait3A] : memref<8x128xi32, #tpu.memory_space<vmem>> -> memref<1x128xi32, #tpu.memory_space<vmem>>
        %dma_wait3A_44 = tpu.memref_squeeze %dma_wait3A_43 : memref<1x128xi32, #tpu.memory_space<vmem>> -> memref<128xi32, #tpu.memory_space<vmem>>
        %dma_wait3A_45 = arith.constant 0 : i32
        %dma_wait3A_46 = arith.constant 0 : i32
        %dma_wait3A_47 = tpu.memref_slice %arg4[%dma_wait3A_45, %dma_wait3A_46] : memref<10240x128xf32, #tpu.memory_space<vmem_shared>> -> memref<10240x128xf32, #tpu.memory_space<vmem_shared>>
        tpu.wait_indirect_dma semaphore(%run_scoped3A_37 : memref<!tpu.dma_semaphore, #tpu.memory_space<semaphore_mem>>) src(%arg6 : memref<128x128xf32, #tpu.memory_space<vmem>>) dst(%dma_wait3A_47 : memref<10240x128xf32, #tpu.memory_space<vmem_shared>>)
        tpu.yield
      }) : () -> ()
      %run_scoped3A_35 = arith.constant 6 : i32
      "tpu.region"() ({
        %run_scoped3A_37 = tpu.sem_alloc : memref<!tpu.dma_semaphore, #tpu.memory_space<semaphore_mem>>
        %dma_start3A = arith.constant 0 : i32
        %dma_start3A_38 = tpu.memref_slice %arg5[%run_scoped3A_35, %dma_start3A] : memref<8x128xi32, #tpu.memory_space<vmem>> -> memref<1x128xi32, #tpu.memory_space<vmem>>
        %dma_start3A_39 = tpu.memref_squeeze %dma_start3A_38 : memref<1x128xi32, #tpu.memory_space<vmem>> -> memref<128xi32, #tpu.memory_space<vmem>>
        %dma_start3A_40 = arith.constant 0 : i32
        %dma_start3A_41 = arith.constant 0 : i32
        %dma_start3A_42 = tpu.memref_slice %arg4[%dma_start3A_40, %dma_start3A_41] : memref<10240x128xf32, #tpu.memory_space<vmem_shared>> -> memref<10240x128xf32, #tpu.memory_space<vmem_shared>>
        tpu.enqueue_indirect_dma source(%arg6 : memref<128x128xf32, #tpu.memory_space<vmem>>) target(%dma_start3A_42 : memref<10240x128xf32, #tpu.memory_space<vmem_shared>>) offsets(%dma_start3A_39 : memref<128xi32, #tpu.memory_space<vmem>>) semaphore(%run_scoped3A_37 : memref<!tpu.dma_semaphore, #tpu.memory_space<semaphore_mem>>) {add = true}
        %dma_wait3A = arith.constant 0 : i32
        %dma_wait3A_43 = tpu.memref_slice %arg5[%run_scoped3A_35, %dma_wait3A] : memref<8x128xi32, #tpu.memory_space<vmem>> -> memref<1x128xi32, #tpu.memory_space<vmem>>
        %dma_wait3A_44 = tpu.memref_squeeze %dma_wait3A_43 : memref<1x128xi32, #tpu.memory_space<vmem>> -> memref<128xi32, #tpu.memory_space<vmem>>
        %dma_wait3A_45 = arith.constant 0 : i32
        %dma_wait3A_46 = arith.constant 0 : i32
        %dma_wait3A_47 = tpu.memref_slice %arg4[%dma_wait3A_45, %dma_wait3A_46] : memref<10240x128xf32, #tpu.memory_space<vmem_shared>> -> memref<10240x128xf32, #tpu.memory_space<vmem_shared>>
        tpu.wait_indirect_dma semaphore(%run_scoped3A_37 : memref<!tpu.dma_semaphore, #tpu.memory_space<semaphore_mem>>) src(%arg6 : memref<128x128xf32, #tpu.memory_space<vmem>>) dst(%dma_wait3A_47 : memref<10240x128xf32, #tpu.memory_space<vmem_shared>>)
        tpu.yield
      }) : () -> ()
      %run_scoped3A_36 = arith.constant 7 : i32
      "tpu.region"() ({
        %run_scoped3A_37 = tpu.sem_alloc : memref<!tpu.dma_semaphore, #tpu.memory_space<semaphore_mem>>
        %dma_start3A = arith.constant 0 : i32
        %dma_start3A_38 = tpu.memref_slice %arg5[%run_scoped3A_36, %dma_start3A] : memref<8x128xi32, #tpu.memory_space<vmem>> -> memref<1x128xi32, #tpu.memory_space<vmem>>
        %dma_start3A_39 = tpu.memref_squeeze %dma_start3A_38 : memref<1x128xi32, #tpu.memory_space<vmem>> -> memref<128xi32, #tpu.memory_space<vmem>>
        %dma_start3A_40 = arith.constant 0 : i32
        %dma_start3A_41 = arith.constant 0 : i32
        %dma_start3A_42 = tpu.memref_slice %arg4[%dma_start3A_40, %dma_start3A_41] : memref<10240x128xf32, #tpu.memory_space<vmem_shared>> -> memref<10240x128xf32, #tpu.memory_space<vmem_shared>>
        tpu.enqueue_indirect_dma source(%arg6 : memref<128x128xf32, #tpu.memory_space<vmem>>) target(%dma_start3A_42 : memref<10240x128xf32, #tpu.memory_space<vmem_shared>>) offsets(%dma_start3A_39 : memref<128xi32, #tpu.memory_space<vmem>>) semaphore(%run_scoped3A_37 : memref<!tpu.dma_semaphore, #tpu.memory_space<semaphore_mem>>) {add = true}
        %dma_wait3A = arith.constant 0 : i32
        %dma_wait3A_43 = tpu.memref_slice %arg5[%run_scoped3A_36, %dma_wait3A] : memref<8x128xi32, #tpu.memory_space<vmem>> -> memref<1x128xi32, #tpu.memory_space<vmem>>
        %dma_wait3A_44 = tpu.memref_squeeze %dma_wait3A_43 : memref<1x128xi32, #tpu.memory_space<vmem>> -> memref<128xi32, #tpu.memory_space<vmem>>
        %dma_wait3A_45 = arith.constant 0 : i32
        %dma_wait3A_46 = arith.constant 0 : i32
        %dma_wait3A_47 = tpu.memref_slice %arg4[%dma_wait3A_45, %dma_wait3A_46] : memref<10240x128xf32, #tpu.memory_space<vmem_shared>> -> memref<10240x128xf32, #tpu.memory_space<vmem_shared>>
        tpu.wait_indirect_dma semaphore(%run_scoped3A_37 : memref<!tpu.dma_semaphore, #tpu.memory_space<semaphore_mem>>) src(%arg6 : memref<128x128xf32, #tpu.memory_space<vmem>>) dst(%dma_wait3A_47 : memref<10240x128xf32, #tpu.memory_space<vmem_shared>>)
        tpu.yield
      }) : () -> ()
    }
    %scan3A_25 = arith.constant 10 : i32
    %barrier3A_26 = arith.constant 0 : index
    tpu.barrier barrier_id(%barrier3A_26)
    "tpu.region"() ({
      %run_scoped3A = tpu.sem_alloc : memref<!tpu.dma_semaphore, #tpu.memory_space<semaphore_mem>>
      %dma_start3A = arith.constant 0 : i32
      %dma_start3A_27 = tpu.memref_slice %arg3[%arg0, %mul3A_0, %dma_start3A] : memref<2x10240x128xf32, #tpu.memory_space<hbm>> -> memref<1x640x128xf32, #tpu.memory_space<hbm>>
      %dma_start3A_28 = tpu.memref_squeeze %dma_start3A_27 : memref<1x640x128xf32, #tpu.memory_space<hbm>> -> memref<640x128xf32, #tpu.memory_space<hbm>>
      %dma_start3A_29 = arith.constant 0 : i32
      %dma_start3A_30 = tpu.memref_slice %arg4[%mul3A_0, %dma_start3A_29] : memref<10240x128xf32, #tpu.memory_space<vmem_shared>> -> memref<640x128xf32, #tpu.memory_space<vmem_shared>>
      tpu.enqueue_dma source(%dma_start3A_30 : memref<640x128xf32, #tpu.memory_space<vmem_shared>>) target(%dma_start3A_28 : memref<640x128xf32, #tpu.memory_space<hbm>>) target_semaphore(%run_scoped3A : memref<!tpu.dma_semaphore, #tpu.memory_space<semaphore_mem>>)
      %dma_wait3A = arith.constant 0 : i32
      %dma_wait3A_31 = tpu.memref_slice %arg3[%arg0, %mul3A_0, %dma_wait3A] : memref<2x10240x128xf32, #tpu.memory_space<hbm>> -> memref<1x640x128xf32, #tpu.memory_space<hbm>>
      %dma_wait3A_32 = tpu.memref_squeeze %dma_wait3A_31 : memref<1x640x128xf32, #tpu.memory_space<hbm>> -> memref<640x128xf32, #tpu.memory_space<hbm>>
      %dma_wait3A_33 = arith.constant 0 : i32
      %dma_wait3A_34 = tpu.memref_slice %arg4[%mul3A_0, %dma_wait3A_33] : memref<10240x128xf32, #tpu.memory_space<vmem_shared>> -> memref<640x128xf32, #tpu.memory_space<vmem_shared>>
      tpu.wait_dma2 semaphore(%run_scoped3A : memref<!tpu.dma_semaphore, #tpu.memory_space<semaphore_mem>>) src(%dma_wait3A_34 : memref<640x128xf32, #tpu.memory_space<vmem_shared>>) dst(%dma_wait3A_32 : memref<640x128xf32, #tpu.memory_space<hbm>>)
      tpu.yield
    }) : () -> ()
    return
  }
}

#map = affine_map<(d0, d1) -> (0, 0)>
#map1 = affine_map<(d0, d1) -> (0, 0, 0)>
module attributes {stable_mosaic.version = 14 : i64} {
  func.func @k(%arg0: i32, %arg1: i32, %arg2: memref<20000x128xf32, #tpu.memory_space<hbm>>, %arg3: memref<2x2560x128xi32, #tpu.memory_space<hbm>>, %arg4: memref<2560x128xi32, #tpu.memory_space<hbm>>, %arg5: memref<2x10240x128xf32, #tpu.memory_space<hbm>>, %arg6: memref<10240x128xf32, #tpu.memory_space<vmem_shared>>, %arg7: memref<32x128xi32, #tpu.memory_space<vmem>>, %arg8: memref<32x128xi32, #tpu.memory_space<vmem>>, %arg9: memref<64x128xf32, #tpu.memory_space<vmem>>, %arg10: memref<64x128xf32, #tpu.memory_space<vmem>>, %arg11: memref<64x128xf32, #tpu.memory_space<vmem>>, %arg12: memref<64x128xf32, #tpu.memory_space<vmem>>, %arg13: memref<!tpu.dma_semaphore, #tpu.memory_space<semaphore_mem>>, %arg14: memref<!tpu.dma_semaphore, #tpu.memory_space<semaphore_mem>>, %arg15: memref<!tpu.dma_semaphore, #tpu.memory_space<semaphore_mem>>, %arg16: memref<!tpu.dma_semaphore, #tpu.memory_space<semaphore_mem>>) attributes {dimension_semantics = [#tpu.dimension_semantics<core_parallel>, #tpu.dimension_semantics<subcore_parallel>], iteration_bounds = array<i64: 2, 16>, scalar_prefetch = 0 : i64, scratch_operands = 11 : i64, tpu.core_type = #tpu.core_type<sc_vector_subcore>, window_params = [{transform_indices = #map}, {transform_indices = #map1}, {transform_indices = #map}, {transform_indices = #map1}]} {
    %mul3A = arith.constant 640 : i32
    %mul3A_0 = arith.muli %arg1, %mul3A : i32
    %mul3A_1 = arith.constant 160 : i32
    %mul3A_2 = arith.muli %arg1, %mul3A_1 : i32
    %scan3A = arith.constant 0 : i32
    %scan3A_3 = arith.constant 0 : i32
    %scan3A_4 = arith.constant 64 : i32
    %scan3A_5 = arith.addi %scan3A_3, %scan3A_4 : i32
    %scan3A_6 = arith.constant 1 : i32
    scf.for %scan3A_21 = %scan3A_3 to %scan3A_5 step %scan3A_6  : i32 {
      %broadcast_in_dim3A = arith.constant 0.000000e+00 : f32
      %broadcast_in_dim3A_22 = vector.broadcast %broadcast_in_dim3A : f32 to vector<16xf32>
      %swap3A = arith.index_cast %scan3A_21 : i32 to index
      %swap3A_23 = arith.constant 0 : index
      %swap3A_24 = tpu.vector_load %arg9[%swap3A, %swap3A_23] {strides = array<i32>} : memref<64x128xf32, #tpu.memory_space<vmem>>, vector<1x16xf32>,
      %swap3A_25 = vector.shape_cast %swap3A_24 : vector<1x16xf32> to vector<16xf32>
      %swap3A_26 = vector.shape_cast %broadcast_in_dim3A_22 : vector<16xf32> to vector<1x16xf32>
      tpu.vector_store %arg9[%swap3A, %swap3A_23], %swap3A_26 {strides = array<i32>} : memref<64x128xf32, #tpu.memory_space<vmem>>, vector<1x16xf32>,
      %broadcast_in_dim3A_27 = arith.constant 0.000000e+00 : f32
      %broadcast_in_dim3A_28 = vector.broadcast %broadcast_in_dim3A_27 : f32 to vector<16xf32>
      %swap3A_29 = arith.index_cast %scan3A_21 : i32 to index
      %swap3A_30 = arith.constant 16 : index
      %swap3A_31 = tpu.vector_load %arg9[%swap3A_29, %swap3A_30] {strides = array<i32>} : memref<64x128xf32, #tpu.memory_space<vmem>>, vector<1x16xf32>,
      %swap3A_32 = vector.shape_cast %swap3A_31 : vector<1x16xf32> to vector<16xf32>
      %swap3A_33 = vector.shape_cast %broadcast_in_dim3A_28 : vector<16xf32> to vector<1x16xf32>
      tpu.vector_store %arg9[%swap3A_29, %swap3A_30], %swap3A_33 {strides = array<i32>} : memref<64x128xf32, #tpu.memory_space<vmem>>, vector<1x16xf32>,
      %broadcast_in_dim3A_34 = arith.constant 0.000000e+00 : f32
      %broadcast_in_dim3A_35 = vector.broadcast %broadcast_in_dim3A_34 : f32 to vector<16xf32>
      %swap3A_36 = arith.index_cast %scan3A_21 : i32 to index
      %swap3A_37 = arith.constant 32 : index
      %swap3A_38 = tpu.vector_load %arg9[%swap3A_36, %swap3A_37] {strides = array<i32>} : memref<64x128xf32, #tpu.memory_space<vmem>>, vector<1x16xf32>,
      %swap3A_39 = vector.shape_cast %swap3A_38 : vector<1x16xf32> to vector<16xf32>
      %swap3A_40 = vector.shape_cast %broadcast_in_dim3A_35 : vector<16xf32> to vector<1x16xf32>
      tpu.vector_store %arg9[%swap3A_36, %swap3A_37], %swap3A_40 {strides = array<i32>} : memref<64x128xf32, #tpu.memory_space<vmem>>, vector<1x16xf32>,
      %broadcast_in_dim3A_41 = arith.constant 0.000000e+00 : f32
      %broadcast_in_dim3A_42 = vector.broadcast %broadcast_in_dim3A_41 : f32 to vector<16xf32>
      %swap3A_43 = arith.index_cast %scan3A_21 : i32 to index
      %swap3A_44 = arith.constant 48 : index
      %swap3A_45 = tpu.vector_load %arg9[%swap3A_43, %swap3A_44] {strides = array<i32>} : memref<64x128xf32, #tpu.memory_space<vmem>>, vector<1x16xf32>,
      %swap3A_46 = vector.shape_cast %swap3A_45 : vector<1x16xf32> to vector<16xf32>
      %swap3A_47 = vector.shape_cast %broadcast_in_dim3A_42 : vector<16xf32> to vector<1x16xf32>
      tpu.vector_store %arg9[%swap3A_43, %swap3A_44], %swap3A_47 {strides = array<i32>} : memref<64x128xf32, #tpu.memory_space<vmem>>, vector<1x16xf32>,
      %broadcast_in_dim3A_48 = arith.constant 0.000000e+00 : f32
      %broadcast_in_dim3A_49 = vector.broadcast %broadcast_in_dim3A_48 : f32 to vector<16xf32>
      %swap3A_50 = arith.index_cast %scan3A_21 : i32 to index
      %swap3A_51 = arith.constant 64 : index
      %swap3A_52 = tpu.vector_load %arg9[%swap3A_50, %swap3A_51] {strides = array<i32>} : memref<64x128xf32, #tpu.memory_space<vmem>>, vector<1x16xf32>,
      %swap3A_53 = vector.shape_cast %swap3A_52 : vector<1x16xf32> to vector<16xf32>
      %swap3A_54 = vector.shape_cast %broadcast_in_dim3A_49 : vector<16xf32> to vector<1x16xf32>
      tpu.vector_store %arg9[%swap3A_50, %swap3A_51], %swap3A_54 {strides = array<i32>} : memref<64x128xf32, #tpu.memory_space<vmem>>, vector<1x16xf32>,
      %broadcast_in_dim3A_55 = arith.constant 0.000000e+00 : f32
      %broadcast_in_dim3A_56 = vector.broadcast %broadcast_in_dim3A_55 : f32 to vector<16xf32>
      %swap3A_57 = arith.index_cast %scan3A_21 : i32 to index
      %swap3A_58 = arith.constant 80 : index
      %swap3A_59 = tpu.vector_load %arg9[%swap3A_57, %swap3A_58] {strides = array<i32>} : memref<64x128xf32, #tpu.memory_space<vmem>>, vector<1x16xf32>,
      %swap3A_60 = vector.shape_cast %swap3A_59 : vector<1x16xf32> to vector<16xf32>
      %swap3A_61 = vector.shape_cast %broadcast_in_dim3A_56 : vector<16xf32> to vector<1x16xf32>
      tpu.vector_store %arg9[%swap3A_57, %swap3A_58], %swap3A_61 {strides = array<i32>} : memref<64x128xf32, #tpu.memory_space<vmem>>, vector<1x16xf32>,
      %broadcast_in_dim3A_62 = arith.constant 0.000000e+00 : f32
      %broadcast_in_dim3A_63 = vector.broadcast %broadcast_in_dim3A_62 : f32 to vector<16xf32>
      %swap3A_64 = arith.index_cast %scan3A_21 : i32 to index
      %swap3A_65 = arith.constant 96 : index
      %swap3A_66 = tpu.vector_load %arg9[%swap3A_64, %swap3A_65] {strides = array<i32>} : memref<64x128xf32, #tpu.memory_space<vmem>>, vector<1x16xf32>,
      %swap3A_67 = vector.shape_cast %swap3A_66 : vector<1x16xf32> to vector<16xf32>
      %swap3A_68 = vector.shape_cast %broadcast_in_dim3A_63 : vector<16xf32> to vector<1x16xf32>
      tpu.vector_store %arg9[%swap3A_64, %swap3A_65], %swap3A_68 {strides = array<i32>} : memref<64x128xf32, #tpu.memory_space<vmem>>, vector<1x16xf32>,
      %broadcast_in_dim3A_69 = arith.constant 0.000000e+00 : f32
      %broadcast_in_dim3A_70 = vector.broadcast %broadcast_in_dim3A_69 : f32 to vector<16xf32>
      %swap3A_71 = arith.index_cast %scan3A_21 : i32 to index
      %swap3A_72 = arith.constant 112 : index
      %swap3A_73 = tpu.vector_load %arg9[%swap3A_71, %swap3A_72] {strides = array<i32>} : memref<64x128xf32, #tpu.memory_space<vmem>>, vector<1x16xf32>,
      %swap3A_74 = vector.shape_cast %swap3A_73 : vector<1x16xf32> to vector<16xf32>
      %swap3A_75 = vector.shape_cast %broadcast_in_dim3A_70 : vector<16xf32> to vector<1x16xf32>
      tpu.vector_store %arg9[%swap3A_71, %swap3A_72], %swap3A_75 {strides = array<i32>} : memref<64x128xf32, #tpu.memory_space<vmem>>, vector<1x16xf32>,
    }
    %scan3A_7 = arith.constant 64 : i32
    %scan3A_8 = arith.constant 0 : i32
    %scan3A_9 = arith.constant 0 : i32
    %scan3A_10 = arith.constant 10 : i32
    %scan3A_11 = arith.addi %scan3A_9, %scan3A_10 : i32
    %scan3A_12 = arith.constant 1 : i32
    scf.for %scan3A_21 = %scan3A_9 to %scan3A_11 step %scan3A_12  : i32 {
      %mul3A_22 = arith.constant 64 : i32
      %mul3A_23 = arith.muli %scan3A_21, %mul3A_22 : i32
      %add3A = arith.addi %mul3A_0, %mul3A_23 : i32
      "tpu.region"() ({
        %run_scoped3A = tpu.sem_alloc : memref<!tpu.dma_semaphore, #tpu.memory_space<semaphore_mem>>
        %dma_start3A = arith.constant 0 : i32
        %dma_start3A_24 = tpu.memref_slice %arg6[%add3A, %dma_start3A] : memref<10240x128xf32, #tpu.memory_space<vmem_shared>> -> memref<64x128xf32, #tpu.memory_space<vmem_shared>>
        %dma_start3A_25 = arith.constant 0 : i32
        %dma_start3A_26 = tpu.memref_slice %arg6[%add3A, %dma_start3A_25] : memref<10240x128xf32, #tpu.memory_space<vmem_shared>> -> memref<64x128xf32, #tpu.memory_space<vmem_shared>>
        tpu.enqueue_dma source(%arg9 : memref<64x128xf32, #tpu.memory_space<vmem>>) target(%dma_start3A_26 : memref<64x128xf32, #tpu.memory_space<vmem_shared>>) target_semaphore(%run_scoped3A : memref<!tpu.dma_semaphore, #tpu.memory_space<semaphore_mem>>)
        %dma_wait3A = arith.constant 0 : i32
        %dma_wait3A_27 = tpu.memref_slice %arg6[%add3A, %dma_wait3A] : memref<10240x128xf32, #tpu.memory_space<vmem_shared>> -> memref<64x128xf32, #tpu.memory_space<vmem_shared>>
        %dma_wait3A_28 = arith.constant 0 : i32
        %dma_wait3A_29 = tpu.memref_slice %arg6[%add3A, %dma_wait3A_28] : memref<10240x128xf32, #tpu.memory_space<vmem_shared>> -> memref<64x128xf32, #tpu.memory_space<vmem_shared>>
        tpu.wait_dma2 semaphore(%run_scoped3A : memref<!tpu.dma_semaphore, #tpu.memory_space<semaphore_mem>>) src(%arg9 : memref<64x128xf32, #tpu.memory_space<vmem>>) dst(%dma_wait3A_29 : memref<64x128xf32, #tpu.memory_space<vmem_shared>>)
        tpu.yield
      }) : () -> ()
    }
    %scan3A_13 = arith.constant 10 : i32
    %barrier3A = arith.constant 0 : index
    tpu.barrier barrier_id(%barrier3A)
    %scan3A_14 = arith.constant 0 : i32
    %scan3A_15 = arith.constant 0 : i32
    %scan3A_16 = arith.constant 5 : i32
    %scan3A_17 = arith.addi %scan3A_15, %scan3A_16 : i32
    %scan3A_18 = arith.constant 1 : i32
    scf.for %scan3A_21 = %scan3A_15 to %scan3A_17 step %scan3A_18  : i32 {
      %mul3A_22 = arith.constant 32 : i32
      %mul3A_23 = arith.muli %scan3A_21, %mul3A_22 : i32
      %add3A = arith.addi %mul3A_2, %mul3A_23 : i32
      "tpu.region"() ({
        %run_scoped3A = tpu.sem_alloc : memref<!tpu.dma_semaphore, #tpu.memory_space<semaphore_mem>>
        %dma_start3A_60 = arith.constant 0 : i32
        %dma_start3A_61 = tpu.memref_slice %arg3[%arg0, %add3A, %dma_start3A_60] : memref<2x2560x128xi32, #tpu.memory_space<hbm>> -> memref<1x32x128xi32, #tpu.memory_space<hbm>>
        %dma_start3A_62 = tpu.memref_squeeze %dma_start3A_61 : memref<1x32x128xi32, #tpu.memory_space<hbm>> -> memref<32x128xi32, #tpu.memory_space<hbm>>
        %dma_start3A_63 = arith.constant 0 : i32
        %dma_start3A_64 = tpu.memref_slice %arg3[%arg0, %add3A, %dma_start3A_63] : memref<2x2560x128xi32, #tpu.memory_space<hbm>> -> memref<1x32x128xi32, #tpu.memory_space<hbm>>
        %dma_start3A_65 = tpu.memref_squeeze %dma_start3A_64 : memref<1x32x128xi32, #tpu.memory_space<hbm>> -> memref<32x128xi32, #tpu.memory_space<hbm>>
        tpu.enqueue_dma source(%dma_start3A_65 : memref<32x128xi32, #tpu.memory_space<hbm>>) target(%arg7 : memref<32x128xi32, #tpu.memory_space<vmem>>) target_semaphore(%run_scoped3A : memref<!tpu.dma_semaphore, #tpu.memory_space<semaphore_mem>>)
        %dma_wait3A = arith.constant 0 : i32
        %dma_wait3A_66 = tpu.memref_slice %arg3[%arg0, %add3A, %dma_wait3A] : memref<2x2560x128xi32, #tpu.memory_space<hbm>> -> memref<1x32x128xi32, #tpu.memory_space<hbm>>
        %dma_wait3A_67 = tpu.memref_squeeze %dma_wait3A_66 : memref<1x32x128xi32, #tpu.memory_space<hbm>> -> memref<32x128xi32, #tpu.memory_space<hbm>>
        %dma_wait3A_68 = arith.constant 0 : i32
        %dma_wait3A_69 = tpu.memref_slice %arg3[%arg0, %add3A, %dma_wait3A_68] : memref<2x2560x128xi32, #tpu.memory_space<hbm>> -> memref<1x32x128xi32, #tpu.memory_space<hbm>>
        %dma_wait3A_70 = tpu.memref_squeeze %dma_wait3A_69 : memref<1x32x128xi32, #tpu.memory_space<hbm>> -> memref<32x128xi32, #tpu.memory_space<hbm>>
        tpu.wait_dma2 semaphore(%run_scoped3A : memref<!tpu.dma_semaphore, #tpu.memory_space<semaphore_mem>>) src(%dma_wait3A_70 : memref<32x128xi32, #tpu.memory_space<hbm>>) dst(%arg7 : memref<32x128xi32, #tpu.memory_space<vmem>>)
        tpu.yield
      }) : () -> ()
      %mul3A_24 = arith.constant 32 : i32
      %mul3A_25 = arith.muli %scan3A_21, %mul3A_24 : i32
      %add3A_26 = arith.addi %mul3A_2, %mul3A_25 : i32
      "tpu.region"() ({
        %run_scoped3A = tpu.sem_alloc : memref<!tpu.dma_semaphore, #tpu.memory_space<semaphore_mem>>
        %dma_start3A_60 = arith.constant 0 : i32
        %dma_start3A_61 = tpu.memref_slice %arg4[%add3A_26, %dma_start3A_60] : memref<2560x128xi32, #tpu.memory_space<hbm>> -> memref<32x128xi32, #tpu.memory_space<hbm>>
        %dma_start3A_62 = arith.constant 0 : i32
        %dma_start3A_63 = tpu.memref_slice %arg4[%add3A_26, %dma_start3A_62] : memref<2560x128xi32, #tpu.memory_space<hbm>> -> memref<32x128xi32, #tpu.memory_space<hbm>>
        tpu.enqueue_dma source(%dma_start3A_63 : memref<32x128xi32, #tpu.memory_space<hbm>>) target(%arg8 : memref<32x128xi32, #tpu.memory_space<vmem>>) target_semaphore(%run_scoped3A : memref<!tpu.dma_semaphore, #tpu.memory_space<semaphore_mem>>)
        %dma_wait3A = arith.constant 0 : i32
        %dma_wait3A_64 = tpu.memref_slice %arg4[%add3A_26, %dma_wait3A] : memref<2560x128xi32, #tpu.memory_space<hbm>> -> memref<32x128xi32, #tpu.memory_space<hbm>>
        %dma_wait3A_65 = arith.constant 0 : i32
        %dma_wait3A_66 = tpu.memref_slice %arg4[%add3A_26, %dma_wait3A_65] : memref<2560x128xi32, #tpu.memory_space<hbm>> -> memref<32x128xi32, #tpu.memory_space<hbm>>
        tpu.wait_dma2 semaphore(%run_scoped3A : memref<!tpu.dma_semaphore, #tpu.memory_space<semaphore_mem>>) src(%dma_wait3A_66 : memref<32x128xi32, #tpu.memory_space<hbm>>) dst(%arg8 : memref<32x128xi32, #tpu.memory_space<vmem>>)
        tpu.yield
      }) : () -> ()
      %dma_start3A = arith.constant 0 : i32
      %dma_start3A_27 = arith.constant 0 : i32
      %dma_start3A_28 = tpu.memref_slice %arg7[%dma_start3A, %dma_start3A_27] : memref<32x128xi32, #tpu.memory_space<vmem>> -> memref<1x64xi32, #tpu.memory_space<vmem>>
      %dma_start3A_29 = tpu.memref_squeeze %dma_start3A_28 : memref<1x64xi32, #tpu.memory_space<vmem>> -> memref<64xi32, #tpu.memory_space<vmem>>
      %dma_start3A_30 = arith.constant 0 : i32
      %dma_start3A_31 = arith.constant 0 : i32
      %dma_start3A_32 = tpu.memref_slice %arg2[%dma_start3A_30, %dma_start3A_31] : memref<20000x128xf32, #tpu.memory_space<hbm>> -> memref<20000x128xf32, #tpu.memory_space<hbm>>
      tpu.enqueue_indirect_dma source(%dma_start3A_32 : memref<20000x128xf32, #tpu.memory_space<hbm>>) target(%arg9 : memref<64x128xf32, #tpu.memory_space<vmem>>) offsets(%dma_start3A_29 : memref<64xi32, #tpu.memory_space<vmem>>) semaphore(%arg13 : memref<!tpu.dma_semaphore, #tpu.memory_space<semaphore_mem>>)
      %dma_start3A_33 = arith.constant 0 : i32
      %dma_start3A_34 = arith.constant 64 : i32
      %dma_start3A_35 = tpu.memref_slice %arg7[%dma_start3A_33, %dma_start3A_34] : memref<32x128xi32, #tpu.memory_space<vmem>> -> memref<1x64xi32, #tpu.memory_space<vmem>>
      %dma_start3A_36 = tpu.memref_squeeze %dma_start3A_35 : memref<1x64xi32, #tpu.memory_space<vmem>> -> memref<64xi32, #tpu.memory_space<vmem>>
      %dma_start3A_37 = arith.constant 0 : i32
      %dma_start3A_38 = arith.constant 0 : i32
      %dma_start3A_39 = tpu.memref_slice %arg2[%dma_start3A_37, %dma_start3A_38] : memref<20000x128xf32, #tpu.memory_space<hbm>> -> memref<20000x128xf32, #tpu.memory_space<hbm>>
      tpu.enqueue_indirect_dma source(%dma_start3A_39 : memref<20000x128xf32, #tpu.memory_space<hbm>>) target(%arg10 : memref<64x128xf32, #tpu.memory_space<vmem>>) offsets(%dma_start3A_36 : memref<64xi32, #tpu.memory_space<vmem>>) semaphore(%arg14 : memref<!tpu.dma_semaphore, #tpu.memory_space<semaphore_mem>>)
      %dma_start3A_40 = arith.constant 1 : i32
      %dma_start3A_41 = arith.constant 0 : i32
      %dma_start3A_42 = tpu.memref_slice %arg7[%dma_start3A_40, %dma_start3A_41] : memref<32x128xi32, #tpu.memory_space<vmem>> -> memref<1x64xi32, #tpu.memory_space<vmem>>
      %dma_start3A_43 = tpu.memref_squeeze %dma_start3A_42 : memref<1x64xi32, #tpu.memory_space<vmem>> -> memref<64xi32, #tpu.memory_space<vmem>>
      %dma_start3A_44 = arith.constant 0 : i32
      %dma_start3A_45 = arith.constant 0 : i32
      %dma_start3A_46 = tpu.memref_slice %arg2[%dma_start3A_44, %dma_start3A_45] : memref<20000x128xf32, #tpu.memory_space<hbm>> -> memref<20000x128xf32, #tpu.memory_space<hbm>>
      tpu.enqueue_indirect_dma source(%dma_start3A_46 : memref<20000x128xf32, #tpu.memory_space<hbm>>) target(%arg11 : memref<64x128xf32, #tpu.memory_space<vmem>>) offsets(%dma_start3A_43 : memref<64xi32, #tpu.memory_space<vmem>>) semaphore(%arg15 : memref<!tpu.dma_semaphore, #tpu.memory_space<semaphore_mem>>)
      %dma_start3A_47 = arith.constant 1 : i32
      %dma_start3A_48 = arith.constant 64 : i32
      %dma_start3A_49 = tpu.memref_slice %arg7[%dma_start3A_47, %dma_start3A_48] : memref<32x128xi32, #tpu.memory_space<vmem>> -> memref<1x64xi32, #tpu.memory_space<vmem>>
      %dma_start3A_50 = tpu.memref_squeeze %dma_start3A_49 : memref<1x64xi32, #tpu.memory_space<vmem>> -> memref<64xi32, #tpu.memory_space<vmem>>
      %dma_start3A_51 = arith.constant 0 : i32
      %dma_start3A_52 = arith.constant 0 : i32
      %dma_start3A_53 = tpu.memref_slice %arg2[%dma_start3A_51, %dma_start3A_52] : memref<20000x128xf32, #tpu.memory_space<hbm>> -> memref<20000x128xf32, #tpu.memory_space<hbm>>
      tpu.enqueue_indirect_dma source(%dma_start3A_53 : memref<20000x128xf32, #tpu.memory_space<hbm>>) target(%arg12 : memref<64x128xf32, #tpu.memory_space<vmem>>) offsets(%dma_start3A_50 : memref<64xi32, #tpu.memory_space<vmem>>) semaphore(%arg16 : memref<!tpu.dma_semaphore, #tpu.memory_space<semaphore_mem>>)
      %scan3A_54 = arith.constant 0 : i32
      %scan3A_55 = arith.constant 0 : i32
      %scan3A_56 = arith.constant 16 : i32
      %scan3A_57 = arith.addi %scan3A_55, %scan3A_56 : i32
      %scan3A_58 = arith.constant 1 : i32
      scf.for %scan3A_60 = %scan3A_55 to %scan3A_57 step %scan3A_58  : i32 {
        %mul3A_61 = arith.constant 4 : i32
        %mul3A_62 = arith.muli %scan3A_60, %mul3A_61 : i32
        %add3A_63 = arith.constant 0 : i32
        %add3A_64 = arith.addi %mul3A_62, %add3A_63 : i32
        %jit3A = arith.constant 2 : i32
        %div3A = arith.divsi %add3A_64, %jit3A : i32
        %sign3A = arith.constant 0 : i32
        %sign3A_65 = arith.cmpi sgt, %add3A_64, %sign3A : i32
        %sign3A_66 = arith.extui %sign3A_65 : i1 to i32
        %sign3A_67 = arith.constant 0 : i32
        %sign3A_68 = arith.cmpi slt, %add3A_64, %sign3A_67 : i32
        %sign3A_69 = arith.extui %sign3A_68 : i1 to i32
        %sign3A_70 = arith.subi %sign3A_66, %sign3A_69 : i32
        %sign3A_71 = arith.constant 0 : i32
        %sign3A_72 = arith.cmpi sgt, %jit3A, %sign3A_71 : i32
        %sign3A_73 = arith.extui %sign3A_72 : i1 to i32
        %sign3A_74 = arith.constant 0 : i32
        %sign3A_75 = arith.cmpi slt, %jit3A, %sign3A_74 : i32
        %sign3A_76 = arith.extui %sign3A_75 : i1 to i32
        %sign3A_77 = arith.subi %sign3A_73, %sign3A_76 : i32
        %ne3A = arith.cmpi ne, %sign3A_70, %sign3A_77 : i32
        %rem3A = arith.remsi %add3A_64, %jit3A : i32
        %ne3A_78 = arith.constant 0 : i32
        %ne3A_79 = arith.cmpi ne, %rem3A, %ne3A_78 : i32
        %and3A = arith.andi %ne3A, %ne3A_79 : i1
        %sub3A = arith.constant 1 : i32
        %sub3A_80 = arith.subi %div3A, %sub3A : i32
        %select_n3A = arith.select %and3A, %sub3A_80, %div3A : i32
        %jit3A_81 = arith.constant 2 : i32
        %eq3A = arith.constant 0 : i32
        %eq3A_82 = arith.cmpi eq, %jit3A_81, %eq3A : i32
        %jit3A_83 = arith.constant 1 : i32
        %select_n3A_84 = arith.select %eq3A_82, %jit3A_83, %jit3A_81 : i32
        %rem3A_85 = arith.remsi %add3A_64, %select_n3A_84 : i32
        %ne3A_86 = arith.constant 0 : i32
        %ne3A_87 = arith.cmpi ne, %rem3A_85, %ne3A_86 : i32
        %lt3A = arith.constant 0 : i32
        %lt3A_88 = arith.cmpi slt, %rem3A_85, %lt3A : i32
        %lt3A_89 = arith.constant 0 : i32
        %lt3A_90 = arith.cmpi slt, %select_n3A_84, %lt3A_89 : i32
        %ne3A_91 = arith.xori %lt3A_88, %lt3A_90 : i1
        %and3A_92 = arith.andi %ne3A_91, %ne3A_87 : i1
        %add3A_93 = arith.addi %rem3A_85, %select_n3A_84 : i32
        %select_n3A_94 = arith.select %and3A_92, %add3A_93, %rem3A_85 : i32
        %mul3A_95 = arith.constant 64 : i32
        %mul3A_96 = arith.muli %select_n3A_94, %mul3A_95 : i32
        %dma_wait3A = tpu.memref_slice %arg7[%select_n3A, %mul3A_96] : memref<32x128xi32, #tpu.memory_space<vmem>> -> memref<1x64xi32, #tpu.memory_space<vmem>>
        %dma_wait3A_97 = tpu.memref_squeeze %dma_wait3A : memref<1x64xi32, #tpu.memory_space<vmem>> -> memref<64xi32, #tpu.memory_space<vmem>>
        %dma_wait3A_98 = arith.constant 0 : i32
        %dma_wait3A_99 = arith.constant 0 : i32
        %dma_wait3A_100 = tpu.memref_slice %arg2[%dma_wait3A_98, %dma_wait3A_99] : memref<20000x128xf32, #tpu.memory_space<hbm>> -> memref<20000x128xf32, #tpu.memory_space<hbm>>
        tpu.wait_indirect_dma semaphore(%arg13 : memref<!tpu.dma_semaphore, #tpu.memory_space<semaphore_mem>>) src(%dma_wait3A_100 : memref<20000x128xf32, #tpu.memory_space<hbm>>) dst(%arg9 : memref<64x128xf32, #tpu.memory_space<vmem>>)
        "tpu.region"() ({
          %run_scoped3A = tpu.sem_alloc : memref<!tpu.dma_semaphore, #tpu.memory_space<semaphore_mem>>
          %dma_start3A_280 = tpu.memref_slice %arg8[%select_n3A, %mul3A_96] : memref<32x128xi32, #tpu.memory_space<vmem>> -> memref<1x64xi32, #tpu.memory_space<vmem>>
          %dma_start3A_281 = tpu.memref_squeeze %dma_start3A_280 : memref<1x64xi32, #tpu.memory_space<vmem>> -> memref<64xi32, #tpu.memory_space<vmem>>
          %dma_start3A_282 = arith.constant 0 : i32
          %dma_start3A_283 = arith.constant 0 : i32
          %dma_start3A_284 = tpu.memref_slice %arg6[%dma_start3A_282, %dma_start3A_283] : memref<10240x128xf32, #tpu.memory_space<vmem_shared>> -> memref<10240x128xf32, #tpu.memory_space<vmem_shared>>
          tpu.enqueue_indirect_dma source(%arg9 : memref<64x128xf32, #tpu.memory_space<vmem>>) target(%dma_start3A_284 : memref<10240x128xf32, #tpu.memory_space<vmem_shared>>) offsets(%dma_start3A_281 : memref<64xi32, #tpu.memory_space<vmem>>) semaphore(%run_scoped3A : memref<!tpu.dma_semaphore, #tpu.memory_space<semaphore_mem>>) {add = true}
          %dma_wait3A_285 = tpu.memref_slice %arg8[%select_n3A, %mul3A_96] : memref<32x128xi32, #tpu.memory_space<vmem>> -> memref<1x64xi32, #tpu.memory_space<vmem>>
          %dma_wait3A_286 = tpu.memref_squeeze %dma_wait3A_285 : memref<1x64xi32, #tpu.memory_space<vmem>> -> memref<64xi32, #tpu.memory_space<vmem>>
          %dma_wait3A_287 = arith.constant 0 : i32
          %dma_wait3A_288 = arith.constant 0 : i32
          %dma_wait3A_289 = tpu.memref_slice %arg6[%dma_wait3A_287, %dma_wait3A_288] : memref<10240x128xf32, #tpu.memory_space<vmem_shared>> -> memref<10240x128xf32, #tpu.memory_space<vmem_shared>>
          tpu.wait_indirect_dma semaphore(%run_scoped3A : memref<!tpu.dma_semaphore, #tpu.memory_space<semaphore_mem>>) src(%arg9 : memref<64x128xf32, #tpu.memory_space<vmem>>) dst(%dma_wait3A_289 : memref<10240x128xf32, #tpu.memory_space<vmem_shared>>)
          tpu.yield
        }) : () -> ()
        %add3A_101 = arith.constant 4 : i32
        %add3A_102 = arith.addi %add3A_64, %add3A_101 : i32
        %lt3A_103 = arith.constant 64 : i32
        %lt3A_104 = arith.cmpi slt, %add3A_102, %lt3A_103 : i32
        %convert_element_type3A = arith.extui %lt3A_104 : i1 to i32
        %cond3A = arith.constant 0 : i32
        %cond3A_105 = arith.cmpi ne, %convert_element_type3A, %cond3A : i32
        scf.if %cond3A_105 {
          %add3A_280 = arith.constant 4 : i32
          %add3A_281 = arith.addi %add3A_64, %add3A_280 : i32
          %jit3A_282 = arith.constant 2 : i32
          %div3A_283 = arith.divsi %add3A_281, %jit3A_282 : i32
          %sign3A_284 = arith.constant 0 : i32
          %sign3A_285 = arith.cmpi sgt, %add3A_281, %sign3A_284 : i32
          %sign3A_286 = arith.extui %sign3A_285 : i1 to i32
          %sign3A_287 = arith.constant 0 : i32
          %sign3A_288 = arith.cmpi slt, %add3A_281, %sign3A_287 : i32
          %sign3A_289 = arith.extui %sign3A_288 : i1 to i32
          %sign3A_290 = arith.subi %sign3A_286, %sign3A_289 : i32
          %sign3A_291 = arith.constant 0 : i32
          %sign3A_292 = arith.cmpi sgt, %jit3A_282, %sign3A_291 : i32
          %sign3A_293 = arith.extui %sign3A_292 : i1 to i32
          %sign3A_294 = arith.constant 0 : i32
          %sign3A_295 = arith.cmpi slt, %jit3A_282, %sign3A_294 : i32
          %sign3A_296 = arith.extui %sign3A_295 : i1 to i32
          %sign3A_297 = arith.subi %sign3A_293, %sign3A_296 : i32
          %ne3A_298 = arith.cmpi ne, %sign3A_290, %sign3A_297 : i32
          %rem3A_299 = arith.remsi %add3A_281, %jit3A_282 : i32
          %ne3A_300 = arith.constant 0 : i32
          %ne3A_301 = arith.cmpi ne, %rem3A_299, %ne3A_300 : i32
          %and3A_302 = arith.andi %ne3A_298, %ne3A_301 : i1
          %sub3A_303 = arith.constant 1 : i32
          %sub3A_304 = arith.subi %div3A_283, %sub3A_303 : i32
          %select_n3A_305 = arith.select %and3A_302, %sub3A_304, %div3A_283 : i32
          %jit3A_306 = arith.constant 2 : i32
          %eq3A_307 = arith.constant 0 : i32
          %eq3A_308 = arith.cmpi eq, %jit3A_306, %eq3A_307 : i32
          %jit3A_309 = arith.constant 1 : i32
          %select_n3A_310 = arith.select %eq3A_308, %jit3A_309, %jit3A_306 : i32
          %rem3A_311 = arith.remsi %add3A_281, %select_n3A_310 : i32
          %ne3A_312 = arith.constant 0 : i32
          %ne3A_313 = arith.cmpi ne, %rem3A_311, %ne3A_312 : i32
          %lt3A_314 = arith.constant 0 : i32
          %lt3A_315 = arith.cmpi slt, %rem3A_311, %lt3A_314 : i32
          %lt3A_316 = arith.constant 0 : i32
          %lt3A_317 = arith.cmpi slt, %select_n3A_310, %lt3A_316 : i32
          %ne3A_318 = arith.xori %lt3A_315, %lt3A_317 : i1
          %and3A_319 = arith.andi %ne3A_318, %ne3A_313 : i1
          %add3A_320 = arith.addi %rem3A_311, %select_n3A_310 : i32
          %select_n3A_321 = arith.select %and3A_319, %add3A_320, %rem3A_311 : i32
          %mul3A_322 = arith.constant 64 : i32
          %mul3A_323 = arith.muli %select_n3A_321, %mul3A_322 : i32
          %dma_start3A_324 = tpu.memref_slice %arg7[%select_n3A_305, %mul3A_323] : memref<32x128xi32, #tpu.memory_space<vmem>> -> memref<1x64xi32, #tpu.memory_space<vmem>>
          %dma_start3A_325 = tpu.memref_squeeze %dma_start3A_324 : memref<1x64xi32, #tpu.memory_space<vmem>> -> memref<64xi32, #tpu.memory_space<vmem>>
          %dma_start3A_326 = arith.constant 0 : i32
          %dma_start3A_327 = arith.constant 0 : i32
          %dma_start3A_328 = tpu.memref_slice %arg2[%dma_start3A_326, %dma_start3A_327] : memref<20000x128xf32, #tpu.memory_space<hbm>> -> memref<20000x128xf32, #tpu.memory_space<hbm>>
          tpu.enqueue_indirect_dma source(%dma_start3A_328 : memref<20000x128xf32, #tpu.memory_space<hbm>>) target(%arg9 : memref<64x128xf32, #tpu.memory_space<vmem>>) offsets(%dma_start3A_325 : memref<64xi32, #tpu.memory_space<vmem>>) semaphore(%arg13 : memref<!tpu.dma_semaphore, #tpu.memory_space<semaphore_mem>>)
        } else {
        }
        %mul3A_106 = arith.constant 4 : i32
        %mul3A_107 = arith.muli %scan3A_60, %mul3A_106 : i32
        %add3A_108 = arith.constant 1 : i32
        %add3A_109 = arith.addi %mul3A_107, %add3A_108 : i32
        %jit3A_110 = arith.constant 2 : i32
        %div3A_111 = arith.divsi %add3A_109, %jit3A_110 : i32
        %sign3A_112 = arith.constant 0 : i32
        %sign3A_113 = arith.cmpi sgt, %add3A_109, %sign3A_112 : i32
        %sign3A_114 = arith.extui %sign3A_113 : i1 to i32
        %sign3A_115 = arith.constant 0 : i32
        %sign3A_116 = arith.cmpi slt, %add3A_109, %sign3A_115 : i32
        %sign3A_117 = arith.extui %sign3A_116 : i1 to i32
        %sign3A_118 = arith.subi %sign3A_114, %sign3A_117 : i32
        %sign3A_119 = arith.constant 0 : i32
        %sign3A_120 = arith.cmpi sgt, %jit3A_110, %sign3A_119 : i32
        %sign3A_121 = arith.extui %sign3A_120 : i1 to i32
        %sign3A_122 = arith.constant 0 : i32
        %sign3A_123 = arith.cmpi slt, %jit3A_110, %sign3A_122 : i32
        %sign3A_124 = arith.extui %sign3A_123 : i1 to i32
        %sign3A_125 = arith.subi %sign3A_121, %sign3A_124 : i32
        %ne3A_126 = arith.cmpi ne, %sign3A_118, %sign3A_125 : i32
        %rem3A_127 = arith.remsi %add3A_109, %jit3A_110 : i32
        %ne3A_128 = arith.constant 0 : i32
        %ne3A_129 = arith.cmpi ne, %rem3A_127, %ne3A_128 : i32
        %and3A_130 = arith.andi %ne3A_126, %ne3A_129 : i1
        %sub3A_131 = arith.constant 1 : i32
        %sub3A_132 = arith.subi %div3A_111, %sub3A_131 : i32
        %select_n3A_133 = arith.select %and3A_130, %sub3A_132, %div3A_111 : i32
        %jit3A_134 = arith.constant 2 : i32
        %eq3A_135 = arith.constant 0 : i32
        %eq3A_136 = arith.cmpi eq, %jit3A_134, %eq3A_135 : i32
        %jit3A_137 = arith.constant 1 : i32
        %select_n3A_138 = arith.select %eq3A_136, %jit3A_137, %jit3A_134 : i32
        %rem3A_139 = arith.remsi %add3A_109, %select_n3A_138 : i32
        %ne3A_140 = arith.constant 0 : i32
        %ne3A_141 = arith.cmpi ne, %rem3A_139, %ne3A_140 : i32
        %lt3A_142 = arith.constant 0 : i32
        %lt3A_143 = arith.cmpi slt, %rem3A_139, %lt3A_142 : i32
        %lt3A_144 = arith.constant 0 : i32
        %lt3A_145 = arith.cmpi slt, %select_n3A_138, %lt3A_144 : i32
        %ne3A_146 = arith.xori %lt3A_143, %lt3A_145 : i1
        %and3A_147 = arith.andi %ne3A_146, %ne3A_141 : i1
        %add3A_148 = arith.addi %rem3A_139, %select_n3A_138 : i32
        %select_n3A_149 = arith.select %and3A_147, %add3A_148, %rem3A_139 : i32
        %mul3A_150 = arith.constant 64 : i32
        %mul3A_151 = arith.muli %select_n3A_149, %mul3A_150 : i32
        %dma_wait3A_152 = tpu.memref_slice %arg7[%select_n3A_133, %mul3A_151] : memref<32x128xi32, #tpu.memory_space<vmem>> -> memref<1x64xi32, #tpu.memory_space<vmem>>
        %dma_wait3A_153 = tpu.memref_squeeze %dma_wait3A_152 : memref<1x64xi32, #tpu.memory_space<vmem>> -> memref<64xi32, #tpu.memory_space<vmem>>
        %dma_wait3A_154 = arith.constant 0 : i32
        %dma_wait3A_155 = arith.constant 0 : i32
        %dma_wait3A_156 = tpu.memref_slice %arg2[%dma_wait3A_154, %dma_wait3A_155] : memref<20000x128xf32, #tpu.memory_space<hbm>> -> memref<20000x128xf32, #tpu.memory_space<hbm>>
        tpu.wait_indirect_dma semaphore(%arg14 : memref<!tpu.dma_semaphore, #tpu.memory_space<semaphore_mem>>) src(%dma_wait3A_156 : memref<20000x128xf32, #tpu.memory_space<hbm>>) dst(%arg10 : memref<64x128xf32, #tpu.memory_space<vmem>>)
        "tpu.region"() ({
          %run_scoped3A = tpu.sem_alloc : memref<!tpu.dma_semaphore, #tpu.memory_space<semaphore_mem>>
          %dma_start3A_280 = tpu.memref_slice %arg8[%select_n3A_133, %mul3A_151] : memref<32x128xi32, #tpu.memory_space<vmem>> -> memref<1x64xi32, #tpu.memory_space<vmem>>
          %dma_start3A_281 = tpu.memref_squeeze %dma_start3A_280 : memref<1x64xi32, #tpu.memory_space<vmem>> -> memref<64xi32, #tpu.memory_space<vmem>>
          %dma_start3A_282 = arith.constant 0 : i32
          %dma_start3A_283 = arith.constant 0 : i32
          %dma_start3A_284 = tpu.memref_slice %arg6[%dma_start3A_282, %dma_start3A_283] : memref<10240x128xf32, #tpu.memory_space<vmem_shared>> -> memref<10240x128xf32, #tpu.memory_space<vmem_shared>>
          tpu.enqueue_indirect_dma source(%arg10 : memref<64x128xf32, #tpu.memory_space<vmem>>) target(%dma_start3A_284 : memref<10240x128xf32, #tpu.memory_space<vmem_shared>>) offsets(%dma_start3A_281 : memref<64xi32, #tpu.memory_space<vmem>>) semaphore(%run_scoped3A : memref<!tpu.dma_semaphore, #tpu.memory_space<semaphore_mem>>) {add = true}
          %dma_wait3A_285 = tpu.memref_slice %arg8[%select_n3A_133, %mul3A_151] : memref<32x128xi32, #tpu.memory_space<vmem>> -> memref<1x64xi32, #tpu.memory_space<vmem>>
          %dma_wait3A_286 = tpu.memref_squeeze %dma_wait3A_285 : memref<1x64xi32, #tpu.memory_space<vmem>> -> memref<64xi32, #tpu.memory_space<vmem>>
          %dma_wait3A_287 = arith.constant 0 : i32
          %dma_wait3A_288 = arith.constant 0 : i32
          %dma_wait3A_289 = tpu.memref_slice %arg6[%dma_wait3A_287, %dma_wait3A_288] : memref<10240x128xf32, #tpu.memory_space<vmem_shared>> -> memref<10240x128xf32, #tpu.memory_space<vmem_shared>>
          tpu.wait_indirect_dma semaphore(%run_scoped3A : memref<!tpu.dma_semaphore, #tpu.memory_space<semaphore_mem>>) src(%arg10 : memref<64x128xf32, #tpu.memory_space<vmem>>) dst(%dma_wait3A_289 : memref<10240x128xf32, #tpu.memory_space<vmem_shared>>)
          tpu.yield
        }) : () -> ()
        %add3A_157 = arith.constant 4 : i32
        %add3A_158 = arith.addi %add3A_109, %add3A_157 : i32
        %lt3A_159 = arith.constant 64 : i32
        %lt3A_160 = arith.cmpi slt, %add3A_158, %lt3A_159 : i32
        %convert_element_type3A_161 = arith.extui %lt3A_160 : i1 to i32
        %cond3A_162 = arith.constant 0 : i32
        %cond3A_163 = arith.cmpi ne, %convert_element_type3A_161, %cond3A_162 : i32
        scf.if %cond3A_163 {
          %add3A_280 = arith.constant 4 : i32
          %add3A_281 = arith.addi %add3A_109, %add3A_280 : i32
          %jit3A_282 = arith.constant 2 : i32
          %div3A_283 = arith.divsi %add3A_281, %jit3A_282 : i32
          %sign3A_284 = arith.constant 0 : i32
          %sign3A_285 = arith.cmpi sgt, %add3A_281, %sign3A_284 : i32
          %sign3A_286 = arith.extui %sign3A_285 : i1 to i32
          %sign3A_287 = arith.constant 0 : i32
          %sign3A_288 = arith.cmpi slt, %add3A_281, %sign3A_287 : i32
          %sign3A_289 = arith.extui %sign3A_288 : i1 to i32
          %sign3A_290 = arith.subi %sign3A_286, %sign3A_289 : i32
          %sign3A_291 = arith.constant 0 : i32
          %sign3A_292 = arith.cmpi sgt, %jit3A_282, %sign3A_291 : i32
          %sign3A_293 = arith.extui %sign3A_292 : i1 to i32
          %sign3A_294 = arith.constant 0 : i32
          %sign3A_295 = arith.cmpi slt, %jit3A_282, %sign3A_294 : i32
          %sign3A_296 = arith.extui %sign3A_295 : i1 to i32
          %sign3A_297 = arith.subi %sign3A_293, %sign3A_296 : i32
          %ne3A_298 = arith.cmpi ne, %sign3A_290, %sign3A_297 : i32
          %rem3A_299 = arith.remsi %add3A_281, %jit3A_282 : i32
          %ne3A_300 = arith.constant 0 : i32
          %ne3A_301 = arith.cmpi ne, %rem3A_299, %ne3A_300 : i32
          %and3A_302 = arith.andi %ne3A_298, %ne3A_301 : i1
          %sub3A_303 = arith.constant 1 : i32
          %sub3A_304 = arith.subi %div3A_283, %sub3A_303 : i32
          %select_n3A_305 = arith.select %and3A_302, %sub3A_304, %div3A_283 : i32
          %jit3A_306 = arith.constant 2 : i32
          %eq3A_307 = arith.constant 0 : i32
          %eq3A_308 = arith.cmpi eq, %jit3A_306, %eq3A_307 : i32
          %jit3A_309 = arith.constant 1 : i32
          %select_n3A_310 = arith.select %eq3A_308, %jit3A_309, %jit3A_306 : i32
          %rem3A_311 = arith.remsi %add3A_281, %select_n3A_310 : i32
          %ne3A_312 = arith.constant 0 : i32
          %ne3A_313 = arith.cmpi ne, %rem3A_311, %ne3A_312 : i32
          %lt3A_314 = arith.constant 0 : i32
          %lt3A_315 = arith.cmpi slt, %rem3A_311, %lt3A_314 : i32
          %lt3A_316 = arith.constant 0 : i32
          %lt3A_317 = arith.cmpi slt, %select_n3A_310, %lt3A_316 : i32
          %ne3A_318 = arith.xori %lt3A_315, %lt3A_317 : i1
          %and3A_319 = arith.andi %ne3A_318, %ne3A_313 : i1
          %add3A_320 = arith.addi %rem3A_311, %select_n3A_310 : i32
          %select_n3A_321 = arith.select %and3A_319, %add3A_320, %rem3A_311 : i32
          %mul3A_322 = arith.constant 64 : i32
          %mul3A_323 = arith.muli %select_n3A_321, %mul3A_322 : i32
          %dma_start3A_324 = tpu.memref_slice %arg7[%select_n3A_305, %mul3A_323] : memref<32x128xi32, #tpu.memory_space<vmem>> -> memref<1x64xi32, #tpu.memory_space<vmem>>
          %dma_start3A_325 = tpu.memref_squeeze %dma_start3A_324 : memref<1x64xi32, #tpu.memory_space<vmem>> -> memref<64xi32, #tpu.memory_space<vmem>>
          %dma_start3A_326 = arith.constant 0 : i32
          %dma_start3A_327 = arith.constant 0 : i32
          %dma_start3A_328 = tpu.memref_slice %arg2[%dma_start3A_326, %dma_start3A_327] : memref<20000x128xf32, #tpu.memory_space<hbm>> -> memref<20000x128xf32, #tpu.memory_space<hbm>>
          tpu.enqueue_indirect_dma source(%dma_start3A_328 : memref<20000x128xf32, #tpu.memory_space<hbm>>) target(%arg10 : memref<64x128xf32, #tpu.memory_space<vmem>>) offsets(%dma_start3A_325 : memref<64xi32, #tpu.memory_space<vmem>>) semaphore(%arg14 : memref<!tpu.dma_semaphore, #tpu.memory_space<semaphore_mem>>)
        } else {
        }
        %mul3A_164 = arith.constant 4 : i32
        %mul3A_165 = arith.muli %scan3A_60, %mul3A_164 : i32
        %add3A_166 = arith.constant 2 : i32
        %add3A_167 = arith.addi %mul3A_165, %add3A_166 : i32
        %jit3A_168 = arith.constant 2 : i32
        %div3A_169 = arith.divsi %add3A_167, %jit3A_168 : i32
        %sign3A_170 = arith.constant 0 : i32
        %sign3A_171 = arith.cmpi sgt, %add3A_167, %sign3A_170 : i32
        %sign3A_172 = arith.extui %sign3A_171 : i1 to i32
        %sign3A_173 = arith.constant 0 : i32
        %sign3A_174 = arith.cmpi slt, %add3A_167, %sign3A_173 : i32
        %sign3A_175 = arith.extui %sign3A_174 : i1 to i32
        %sign3A_176 = arith.subi %sign3A_172, %sign3A_175 : i32
        %sign3A_177 = arith.constant 0 : i32
        %sign3A_178 = arith.cmpi sgt, %jit3A_168, %sign3A_177 : i32
        %sign3A_179 = arith.extui %sign3A_178 : i1 to i32
        %sign3A_180 = arith.constant 0 : i32
        %sign3A_181 = arith.cmpi slt, %jit3A_168, %sign3A_180 : i32
        %sign3A_182 = arith.extui %sign3A_181 : i1 to i32
        %sign3A_183 = arith.subi %sign3A_179, %sign3A_182 : i32
        %ne3A_184 = arith.cmpi ne, %sign3A_176, %sign3A_183 : i32
        %rem3A_185 = arith.remsi %add3A_167, %jit3A_168 : i32
        %ne3A_186 = arith.constant 0 : i32
        %ne3A_187 = arith.cmpi ne, %rem3A_185, %ne3A_186 : i32
        %and3A_188 = arith.andi %ne3A_184, %ne3A_187 : i1
        %sub3A_189 = arith.constant 1 : i32
        %sub3A_190 = arith.subi %div3A_169, %sub3A_189 : i32
        %select_n3A_191 = arith.select %and3A_188, %sub3A_190, %div3A_169 : i32
        %jit3A_192 = arith.constant 2 : i32
        %eq3A_193 = arith.constant 0 : i32
        %eq3A_194 = arith.cmpi eq, %jit3A_192, %eq3A_193 : i32
        %jit3A_195 = arith.constant 1 : i32
        %select_n3A_196 = arith.select %eq3A_194, %jit3A_195, %jit3A_192 : i32
        %rem3A_197 = arith.remsi %add3A_167, %select_n3A_196 : i32
        %ne3A_198 = arith.constant 0 : i32
        %ne3A_199 = arith.cmpi ne, %rem3A_197, %ne3A_198 : i32
        %lt3A_200 = arith.constant 0 : i32
        %lt3A_201 = arith.cmpi slt, %rem3A_197, %lt3A_200 : i32
        %lt3A_202 = arith.constant 0 : i32
        %lt3A_203 = arith.cmpi slt, %select_n3A_196, %lt3A_202 : i32
        %ne3A_204 = arith.xori %lt3A_201, %lt3A_203 : i1
        %and3A_205 = arith.andi %ne3A_204, %ne3A_199 : i1
        %add3A_206 = arith.addi %rem3A_197, %select_n3A_196 : i32
        %select_n3A_207 = arith.select %and3A_205, %add3A_206, %rem3A_197 : i32
        %mul3A_208 = arith.constant 64 : i32
        %mul3A_209 = arith.muli %select_n3A_207, %mul3A_208 : i32
        %dma_wait3A_210 = tpu.memref_slice %arg7[%select_n3A_191, %mul3A_209] : memref<32x128xi32, #tpu.memory_space<vmem>> -> memref<1x64xi32, #tpu.memory_space<vmem>>
        %dma_wait3A_211 = tpu.memref_squeeze %dma_wait3A_210 : memref<1x64xi32, #tpu.memory_space<vmem>> -> memref<64xi32, #tpu.memory_space<vmem>>
        %dma_wait3A_212 = arith.constant 0 : i32
        %dma_wait3A_213 = arith.constant 0 : i32
        %dma_wait3A_214 = tpu.memref_slice %arg2[%dma_wait3A_212, %dma_wait3A_213] : memref<20000x128xf32, #tpu.memory_space<hbm>> -> memref<20000x128xf32, #tpu.memory_space<hbm>>
        tpu.wait_indirect_dma semaphore(%arg15 : memref<!tpu.dma_semaphore, #tpu.memory_space<semaphore_mem>>) src(%dma_wait3A_214 : memref<20000x128xf32, #tpu.memory_space<hbm>>) dst(%arg11 : memref<64x128xf32, #tpu.memory_space<vmem>>)
        "tpu.region"() ({
          %run_scoped3A = tpu.sem_alloc : memref<!tpu.dma_semaphore, #tpu.memory_space<semaphore_mem>>
          %dma_start3A_280 = tpu.memref_slice %arg8[%select_n3A_191, %mul3A_209] : memref<32x128xi32, #tpu.memory_space<vmem>> -> memref<1x64xi32, #tpu.memory_space<vmem>>
          %dma_start3A_281 = tpu.memref_squeeze %dma_start3A_280 : memref<1x64xi32, #tpu.memory_space<vmem>> -> memref<64xi32, #tpu.memory_space<vmem>>
          %dma_start3A_282 = arith.constant 0 : i32
          %dma_start3A_283 = arith.constant 0 : i32
          %dma_start3A_284 = tpu.memref_slice %arg6[%dma_start3A_282, %dma_start3A_283] : memref<10240x128xf32, #tpu.memory_space<vmem_shared>> -> memref<10240x128xf32, #tpu.memory_space<vmem_shared>>
          tpu.enqueue_indirect_dma source(%arg11 : memref<64x128xf32, #tpu.memory_space<vmem>>) target(%dma_start3A_284 : memref<10240x128xf32, #tpu.memory_space<vmem_shared>>) offsets(%dma_start3A_281 : memref<64xi32, #tpu.memory_space<vmem>>) semaphore(%run_scoped3A : memref<!tpu.dma_semaphore, #tpu.memory_space<semaphore_mem>>) {add = true}
          %dma_wait3A_285 = tpu.memref_slice %arg8[%select_n3A_191, %mul3A_209] : memref<32x128xi32, #tpu.memory_space<vmem>> -> memref<1x64xi32, #tpu.memory_space<vmem>>
          %dma_wait3A_286 = tpu.memref_squeeze %dma_wait3A_285 : memref<1x64xi32, #tpu.memory_space<vmem>> -> memref<64xi32, #tpu.memory_space<vmem>>
          %dma_wait3A_287 = arith.constant 0 : i32
          %dma_wait3A_288 = arith.constant 0 : i32
          %dma_wait3A_289 = tpu.memref_slice %arg6[%dma_wait3A_287, %dma_wait3A_288] : memref<10240x128xf32, #tpu.memory_space<vmem_shared>> -> memref<10240x128xf32, #tpu.memory_space<vmem_shared>>
          tpu.wait_indirect_dma semaphore(%run_scoped3A : memref<!tpu.dma_semaphore, #tpu.memory_space<semaphore_mem>>) src(%arg11 : memref<64x128xf32, #tpu.memory_space<vmem>>) dst(%dma_wait3A_289 : memref<10240x128xf32, #tpu.memory_space<vmem_shared>>)
          tpu.yield
        }) : () -> ()
        %add3A_215 = arith.constant 4 : i32
        %add3A_216 = arith.addi %add3A_167, %add3A_215 : i32
        %lt3A_217 = arith.constant 64 : i32
        %lt3A_218 = arith.cmpi slt, %add3A_216, %lt3A_217 : i32
        %convert_element_type3A_219 = arith.extui %lt3A_218 : i1 to i32
        %cond3A_220 = arith.constant 0 : i32
        %cond3A_221 = arith.cmpi ne, %convert_element_type3A_219, %cond3A_220 : i32
        scf.if %cond3A_221 {
          %add3A_280 = arith.constant 4 : i32
          %add3A_281 = arith.addi %add3A_167, %add3A_280 : i32
          %jit3A_282 = arith.constant 2 : i32
          %div3A_283 = arith.divsi %add3A_281, %jit3A_282 : i32
          %sign3A_284 = arith.constant 0 : i32
          %sign3A_285 = arith.cmpi sgt, %add3A_281, %sign3A_284 : i32
          %sign3A_286 = arith.extui %sign3A_285 : i1 to i32
          %sign3A_287 = arith.constant 0 : i32
          %sign3A_288 = arith.cmpi slt, %add3A_281, %sign3A_287 : i32
          %sign3A_289 = arith.extui %sign3A_288 : i1 to i32
          %sign3A_290 = arith.subi %sign3A_286, %sign3A_289 : i32
          %sign3A_291 = arith.constant 0 : i32
          %sign3A_292 = arith.cmpi sgt, %jit3A_282, %sign3A_291 : i32
          %sign3A_293 = arith.extui %sign3A_292 : i1 to i32
          %sign3A_294 = arith.constant 0 : i32
          %sign3A_295 = arith.cmpi slt, %jit3A_282, %sign3A_294 : i32
          %sign3A_296 = arith.extui %sign3A_295 : i1 to i32
          %sign3A_297 = arith.subi %sign3A_293, %sign3A_296 : i32
          %ne3A_298 = arith.cmpi ne, %sign3A_290, %sign3A_297 : i32
          %rem3A_299 = arith.remsi %add3A_281, %jit3A_282 : i32
          %ne3A_300 = arith.constant 0 : i32
          %ne3A_301 = arith.cmpi ne, %rem3A_299, %ne3A_300 : i32
          %and3A_302 = arith.andi %ne3A_298, %ne3A_301 : i1
          %sub3A_303 = arith.constant 1 : i32
          %sub3A_304 = arith.subi %div3A_283, %sub3A_303 : i32
          %select_n3A_305 = arith.select %and3A_302, %sub3A_304, %div3A_283 : i32
          %jit3A_306 = arith.constant 2 : i32
          %eq3A_307 = arith.constant 0 : i32
          %eq3A_308 = arith.cmpi eq, %jit3A_306, %eq3A_307 : i32
          %jit3A_309 = arith.constant 1 : i32
          %select_n3A_310 = arith.select %eq3A_308, %jit3A_309, %jit3A_306 : i32
          %rem3A_311 = arith.remsi %add3A_281, %select_n3A_310 : i32
          %ne3A_312 = arith.constant 0 : i32
          %ne3A_313 = arith.cmpi ne, %rem3A_311, %ne3A_312 : i32
          %lt3A_314 = arith.constant 0 : i32
          %lt3A_315 = arith.cmpi slt, %rem3A_311, %lt3A_314 : i32
          %lt3A_316 = arith.constant 0 : i32
          %lt3A_317 = arith.cmpi slt, %select_n3A_310, %lt3A_316 : i32
          %ne3A_318 = arith.xori %lt3A_315, %lt3A_317 : i1
          %and3A_319 = arith.andi %ne3A_318, %ne3A_313 : i1
          %add3A_320 = arith.addi %rem3A_311, %select_n3A_310 : i32
          %select_n3A_321 = arith.select %and3A_319, %add3A_320, %rem3A_311 : i32
          %mul3A_322 = arith.constant 64 : i32
          %mul3A_323 = arith.muli %select_n3A_321, %mul3A_322 : i32
          %dma_start3A_324 = tpu.memref_slice %arg7[%select_n3A_305, %mul3A_323] : memref<32x128xi32, #tpu.memory_space<vmem>> -> memref<1x64xi32, #tpu.memory_space<vmem>>
          %dma_start3A_325 = tpu.memref_squeeze %dma_start3A_324 : memref<1x64xi32, #tpu.memory_space<vmem>> -> memref<64xi32, #tpu.memory_space<vmem>>
          %dma_start3A_326 = arith.constant 0 : i32
          %dma_start3A_327 = arith.constant 0 : i32
          %dma_start3A_328 = tpu.memref_slice %arg2[%dma_start3A_326, %dma_start3A_327] : memref<20000x128xf32, #tpu.memory_space<hbm>> -> memref<20000x128xf32, #tpu.memory_space<hbm>>
          tpu.enqueue_indirect_dma source(%dma_start3A_328 : memref<20000x128xf32, #tpu.memory_space<hbm>>) target(%arg11 : memref<64x128xf32, #tpu.memory_space<vmem>>) offsets(%dma_start3A_325 : memref<64xi32, #tpu.memory_space<vmem>>) semaphore(%arg15 : memref<!tpu.dma_semaphore, #tpu.memory_space<semaphore_mem>>)
        } else {
        }
        %mul3A_222 = arith.constant 4 : i32
        %mul3A_223 = arith.muli %scan3A_60, %mul3A_222 : i32
        %add3A_224 = arith.constant 3 : i32
        %add3A_225 = arith.addi %mul3A_223, %add3A_224 : i32
        %jit3A_226 = arith.constant 2 : i32
        %div3A_227 = arith.divsi %add3A_225, %jit3A_226 : i32
        %sign3A_228 = arith.constant 0 : i32
        %sign3A_229 = arith.cmpi sgt, %add3A_225, %sign3A_228 : i32
        %sign3A_230 = arith.extui %sign3A_229 : i1 to i32
        %sign3A_231 = arith.constant 0 : i32
        %sign3A_232 = arith.cmpi slt, %add3A_225, %sign3A_231 : i32
        %sign3A_233 = arith.extui %sign3A_232 : i1 to i32
        %sign3A_234 = arith.subi %sign3A_230, %sign3A_233 : i32
        %sign3A_235 = arith.constant 0 : i32
        %sign3A_236 = arith.cmpi sgt, %jit3A_226, %sign3A_235 : i32
        %sign3A_237 = arith.extui %sign3A_236 : i1 to i32
        %sign3A_238 = arith.constant 0 : i32
        %sign3A_239 = arith.cmpi slt, %jit3A_226, %sign3A_238 : i32
        %sign3A_240 = arith.extui %sign3A_239 : i1 to i32
        %sign3A_241 = arith.subi %sign3A_237, %sign3A_240 : i32
        %ne3A_242 = arith.cmpi ne, %sign3A_234, %sign3A_241 : i32
        %rem3A_243 = arith.remsi %add3A_225, %jit3A_226 : i32
        %ne3A_244 = arith.constant 0 : i32
        %ne3A_245 = arith.cmpi ne, %rem3A_243, %ne3A_244 : i32
        %and3A_246 = arith.andi %ne3A_242, %ne3A_245 : i1
        %sub3A_247 = arith.constant 1 : i32
        %sub3A_248 = arith.subi %div3A_227, %sub3A_247 : i32
        %select_n3A_249 = arith.select %and3A_246, %sub3A_248, %div3A_227 : i32
        %jit3A_250 = arith.constant 2 : i32
        %eq3A_251 = arith.constant 0 : i32
        %eq3A_252 = arith.cmpi eq, %jit3A_250, %eq3A_251 : i32
        %jit3A_253 = arith.constant 1 : i32
        %select_n3A_254 = arith.select %eq3A_252, %jit3A_253, %jit3A_250 : i32
        %rem3A_255 = arith.remsi %add3A_225, %select_n3A_254 : i32
        %ne3A_256 = arith.constant 0 : i32
        %ne3A_257 = arith.cmpi ne, %rem3A_255, %ne3A_256 : i32
        %lt3A_258 = arith.constant 0 : i32
        %lt3A_259 = arith.cmpi slt, %rem3A_255, %lt3A_258 : i32
        %lt3A_260 = arith.constant 0 : i32
        %lt3A_261 = arith.cmpi slt, %select_n3A_254, %lt3A_260 : i32
        %ne3A_262 = arith.xori %lt3A_259, %lt3A_261 : i1
        %and3A_263 = arith.andi %ne3A_262, %ne3A_257 : i1
        %add3A_264 = arith.addi %rem3A_255, %select_n3A_254 : i32
        %select_n3A_265 = arith.select %and3A_263, %add3A_264, %rem3A_255 : i32
        %mul3A_266 = arith.constant 64 : i32
        %mul3A_267 = arith.muli %select_n3A_265, %mul3A_266 : i32
        %dma_wait3A_268 = tpu.memref_slice %arg7[%select_n3A_249, %mul3A_267] : memref<32x128xi32, #tpu.memory_space<vmem>> -> memref<1x64xi32, #tpu.memory_space<vmem>>
        %dma_wait3A_269 = tpu.memref_squeeze %dma_wait3A_268 : memref<1x64xi32, #tpu.memory_space<vmem>> -> memref<64xi32, #tpu.memory_space<vmem>>
        %dma_wait3A_270 = arith.constant 0 : i32
        %dma_wait3A_271 = arith.constant 0 : i32
        %dma_wait3A_272 = tpu.memref_slice %arg2[%dma_wait3A_270, %dma_wait3A_271] : memref<20000x128xf32, #tpu.memory_space<hbm>> -> memref<20000x128xf32, #tpu.memory_space<hbm>>
        tpu.wait_indirect_dma semaphore(%arg16 : memref<!tpu.dma_semaphore, #tpu.memory_space<semaphore_mem>>) src(%dma_wait3A_272 : memref<20000x128xf32, #tpu.memory_space<hbm>>) dst(%arg12 : memref<64x128xf32, #tpu.memory_space<vmem>>)
        "tpu.region"() ({
          %run_scoped3A = tpu.sem_alloc : memref<!tpu.dma_semaphore, #tpu.memory_space<semaphore_mem>>
          %dma_start3A_280 = tpu.memref_slice %arg8[%select_n3A_249, %mul3A_267] : memref<32x128xi32, #tpu.memory_space<vmem>> -> memref<1x64xi32, #tpu.memory_space<vmem>>
          %dma_start3A_281 = tpu.memref_squeeze %dma_start3A_280 : memref<1x64xi32, #tpu.memory_space<vmem>> -> memref<64xi32, #tpu.memory_space<vmem>>
          %dma_start3A_282 = arith.constant 0 : i32
          %dma_start3A_283 = arith.constant 0 : i32
          %dma_start3A_284 = tpu.memref_slice %arg6[%dma_start3A_282, %dma_start3A_283] : memref<10240x128xf32, #tpu.memory_space<vmem_shared>> -> memref<10240x128xf32, #tpu.memory_space<vmem_shared>>
          tpu.enqueue_indirect_dma source(%arg12 : memref<64x128xf32, #tpu.memory_space<vmem>>) target(%dma_start3A_284 : memref<10240x128xf32, #tpu.memory_space<vmem_shared>>) offsets(%dma_start3A_281 : memref<64xi32, #tpu.memory_space<vmem>>) semaphore(%run_scoped3A : memref<!tpu.dma_semaphore, #tpu.memory_space<semaphore_mem>>) {add = true}
          %dma_wait3A_285 = tpu.memref_slice %arg8[%select_n3A_249, %mul3A_267] : memref<32x128xi32, #tpu.memory_space<vmem>> -> memref<1x64xi32, #tpu.memory_space<vmem>>
          %dma_wait3A_286 = tpu.memref_squeeze %dma_wait3A_285 : memref<1x64xi32, #tpu.memory_space<vmem>> -> memref<64xi32, #tpu.memory_space<vmem>>
          %dma_wait3A_287 = arith.constant 0 : i32
          %dma_wait3A_288 = arith.constant 0 : i32
          %dma_wait3A_289 = tpu.memref_slice %arg6[%dma_wait3A_287, %dma_wait3A_288] : memref<10240x128xf32, #tpu.memory_space<vmem_shared>> -> memref<10240x128xf32, #tpu.memory_space<vmem_shared>>
          tpu.wait_indirect_dma semaphore(%run_scoped3A : memref<!tpu.dma_semaphore, #tpu.memory_space<semaphore_mem>>) src(%arg12 : memref<64x128xf32, #tpu.memory_space<vmem>>) dst(%dma_wait3A_289 : memref<10240x128xf32, #tpu.memory_space<vmem_shared>>)
          tpu.yield
        }) : () -> ()
        %add3A_273 = arith.constant 4 : i32
        %add3A_274 = arith.addi %add3A_225, %add3A_273 : i32
        %lt3A_275 = arith.constant 64 : i32
        %lt3A_276 = arith.cmpi slt, %add3A_274, %lt3A_275 : i32
        %convert_element_type3A_277 = arith.extui %lt3A_276 : i1 to i32
        %cond3A_278 = arith.constant 0 : i32
        %cond3A_279 = arith.cmpi ne, %convert_element_type3A_277, %cond3A_278 : i32
        scf.if %cond3A_279 {
          %add3A_280 = arith.constant 4 : i32
          %add3A_281 = arith.addi %add3A_225, %add3A_280 : i32
          %jit3A_282 = arith.constant 2 : i32
          %div3A_283 = arith.divsi %add3A_281, %jit3A_282 : i32
          %sign3A_284 = arith.constant 0 : i32
          %sign3A_285 = arith.cmpi sgt, %add3A_281, %sign3A_284 : i32
          %sign3A_286 = arith.extui %sign3A_285 : i1 to i32
          %sign3A_287 = arith.constant 0 : i32
          %sign3A_288 = arith.cmpi slt, %add3A_281, %sign3A_287 : i32
          %sign3A_289 = arith.extui %sign3A_288 : i1 to i32
          %sign3A_290 = arith.subi %sign3A_286, %sign3A_289 : i32
          %sign3A_291 = arith.constant 0 : i32
          %sign3A_292 = arith.cmpi sgt, %jit3A_282, %sign3A_291 : i32
          %sign3A_293 = arith.extui %sign3A_292 : i1 to i32
          %sign3A_294 = arith.constant 0 : i32
          %sign3A_295 = arith.cmpi slt, %jit3A_282, %sign3A_294 : i32
          %sign3A_296 = arith.extui %sign3A_295 : i1 to i32
          %sign3A_297 = arith.subi %sign3A_293, %sign3A_296 : i32
          %ne3A_298 = arith.cmpi ne, %sign3A_290, %sign3A_297 : i32
          %rem3A_299 = arith.remsi %add3A_281, %jit3A_282 : i32
          %ne3A_300 = arith.constant 0 : i32
          %ne3A_301 = arith.cmpi ne, %rem3A_299, %ne3A_300 : i32
          %and3A_302 = arith.andi %ne3A_298, %ne3A_301 : i1
          %sub3A_303 = arith.constant 1 : i32
          %sub3A_304 = arith.subi %div3A_283, %sub3A_303 : i32
          %select_n3A_305 = arith.select %and3A_302, %sub3A_304, %div3A_283 : i32
          %jit3A_306 = arith.constant 2 : i32
          %eq3A_307 = arith.constant 0 : i32
          %eq3A_308 = arith.cmpi eq, %jit3A_306, %eq3A_307 : i32
          %jit3A_309 = arith.constant 1 : i32
          %select_n3A_310 = arith.select %eq3A_308, %jit3A_309, %jit3A_306 : i32
          %rem3A_311 = arith.remsi %add3A_281, %select_n3A_310 : i32
          %ne3A_312 = arith.constant 0 : i32
          %ne3A_313 = arith.cmpi ne, %rem3A_311, %ne3A_312 : i32
          %lt3A_314 = arith.constant 0 : i32
          %lt3A_315 = arith.cmpi slt, %rem3A_311, %lt3A_314 : i32
          %lt3A_316 = arith.constant 0 : i32
          %lt3A_317 = arith.cmpi slt, %select_n3A_310, %lt3A_316 : i32
          %ne3A_318 = arith.xori %lt3A_315, %lt3A_317 : i1
          %and3A_319 = arith.andi %ne3A_318, %ne3A_313 : i1
          %add3A_320 = arith.addi %rem3A_311, %select_n3A_310 : i32
          %select_n3A_321 = arith.select %and3A_319, %add3A_320, %rem3A_311 : i32
          %mul3A_322 = arith.constant 64 : i32
          %mul3A_323 = arith.muli %select_n3A_321, %mul3A_322 : i32
          %dma_start3A_324 = tpu.memref_slice %arg7[%select_n3A_305, %mul3A_323] : memref<32x128xi32, #tpu.memory_space<vmem>> -> memref<1x64xi32, #tpu.memory_space<vmem>>
          %dma_start3A_325 = tpu.memref_squeeze %dma_start3A_324 : memref<1x64xi32, #tpu.memory_space<vmem>> -> memref<64xi32, #tpu.memory_space<vmem>>
          %dma_start3A_326 = arith.constant 0 : i32
          %dma_start3A_327 = arith.constant 0 : i32
          %dma_start3A_328 = tpu.memref_slice %arg2[%dma_start3A_326, %dma_start3A_327] : memref<20000x128xf32, #tpu.memory_space<hbm>> -> memref<20000x128xf32, #tpu.memory_space<hbm>>
          tpu.enqueue_indirect_dma source(%dma_start3A_328 : memref<20000x128xf32, #tpu.memory_space<hbm>>) target(%arg12 : memref<64x128xf32, #tpu.memory_space<vmem>>) offsets(%dma_start3A_325 : memref<64xi32, #tpu.memory_space<vmem>>) semaphore(%arg16 : memref<!tpu.dma_semaphore, #tpu.memory_space<semaphore_mem>>)
        } else {
        }
      }
      %scan3A_59 = arith.constant 16 : i32
    }
    %scan3A_19 = arith.constant 5 : i32
    %barrier3A_20 = arith.constant 0 : index
    tpu.barrier barrier_id(%barrier3A_20)
    "tpu.region"() ({
      %run_scoped3A = tpu.sem_alloc : memref<!tpu.dma_semaphore, #tpu.memory_space<semaphore_mem>>
      %dma_start3A = arith.constant 0 : i32
      %dma_start3A_21 = tpu.memref_slice %arg5[%arg0, %mul3A_0, %dma_start3A] : memref<2x10240x128xf32, #tpu.memory_space<hbm>> -> memref<1x640x128xf32, #tpu.memory_space<hbm>>
      %dma_start3A_22 = tpu.memref_squeeze %dma_start3A_21 : memref<1x640x128xf32, #tpu.memory_space<hbm>> -> memref<640x128xf32, #tpu.memory_space<hbm>>
      %dma_start3A_23 = arith.constant 0 : i32
      %dma_start3A_24 = tpu.memref_slice %arg6[%mul3A_0, %dma_start3A_23] : memref<10240x128xf32, #tpu.memory_space<vmem_shared>> -> memref<640x128xf32, #tpu.memory_space<vmem_shared>>
      tpu.enqueue_dma source(%dma_start3A_24 : memref<640x128xf32, #tpu.memory_space<vmem_shared>>) target(%dma_start3A_22 : memref<640x128xf32, #tpu.memory_space<hbm>>) target_semaphore(%run_scoped3A : memref<!tpu.dma_semaphore, #tpu.memory_space<semaphore_mem>>)
      %dma_wait3A = arith.constant 0 : i32
      %dma_wait3A_25 = tpu.memref_slice %arg5[%arg0, %mul3A_0, %dma_wait3A] : memref<2x10240x128xf32, #tpu.memory_space<hbm>> -> memref<1x640x128xf32, #tpu.memory_space<hbm>>
      %dma_wait3A_26 = tpu.memref_squeeze %dma_wait3A_25 : memref<1x640x128xf32, #tpu.memory_space<hbm>> -> memref<640x128xf32, #tpu.memory_space<hbm>>
      %dma_wait3A_27 = arith.constant 0 : i32
      %dma_wait3A_28 = tpu.memref_slice %arg6[%mul3A_0, %dma_wait3A_27] : memref<10240x128xf32, #tpu.memory_space<vmem_shared>> -> memref<640x128xf32, #tpu.memory_space<vmem_shared>>
      tpu.wait_dma2 semaphore(%run_scoped3A : memref<!tpu.dma_semaphore, #tpu.memory_space<semaphore_mem>>) src(%dma_wait3A_28 : memref<640x128xf32, #tpu.memory_space<vmem_shared>>) dst(%dma_wait3A_26 : memref<640x128xf32, #tpu.memory_space<hbm>>)
      tpu.yield
    }) : () -> ()
    return
  }
}

module attributes {stable_mosaic.version = 14 : i64} {
  func.func @_prep_body(%arg0: memref<128x128xf32, #tpu.memory_space<vmem>>, %arg1: memref<128x128xf32, #tpu.memory_space<vmem>>, %arg2: memref<128x128xf32, #tpu.memory_space<vmem>>, %arg3: memref<128x128xf32, #tpu.memory_space<vmem>>, %arg4: memref<512x256xf32, #tpu.memory_space<vmem>>, %arg5: memref<1x128xf32, #tpu.memory_space<vmem>>, %arg6: memref<1x128xf32, #tpu.memory_space<vmem>>, %arg7: memref<1x128xf32, #tpu.memory_space<vmem>>, %arg8: memref<1x128xf32, #tpu.memory_space<vmem>>, %arg9: memref<1x256xf32, #tpu.memory_space<vmem>>, %arg10: memref<128x256xf32, #tpu.memory_space<vmem>>, %arg11: memref<128x256xf32, #tpu.memory_space<vmem>>, %arg12: memref<128x256xf32, #tpu.memory_space<vmem>>, %arg13: memref<128x256xf32, #tpu.memory_space<vmem>>, %arg14: memref<1x256xf32, #tpu.memory_space<vmem>>) attributes {dimension_semantics = [], scalar_prefetch = 0 : i64, scratch_operands = 0 : i64, tpu.core_type = #tpu.core_type<tc>} {
    %get3A = arith.constant 0 : index
    %get3A_0 = arith.constant 0 : index
    %get3A_1 = vector.load %arg4[%get3A, %get3A_0] : memref<512x256xf32, #tpu.memory_space<vmem>>, vector<128x256xf32>
    %get3A_2 = arith.constant 128 : index
    %get3A_3 = arith.constant 0 : index
    %get3A_4 = vector.load %arg4[%get3A_2, %get3A_3] : memref<512x256xf32, #tpu.memory_space<vmem>>, vector<128x256xf32>
    %get3A_5 = arith.constant 256 : index
    %get3A_6 = arith.constant 0 : index
    %get3A_7 = vector.load %arg4[%get3A_5, %get3A_6] : memref<512x256xf32, #tpu.memory_space<vmem>>, vector<128x256xf32>
    %get3A_8 = arith.constant 384 : index
    %get3A_9 = arith.constant 0 : index
    %get3A_10 = vector.load %arg4[%get3A_8, %get3A_9] : memref<512x256xf32, #tpu.memory_space<vmem>>, vector<128x256xf32>
    %get3A_11 = arith.constant 0 : index
    %get3A_12 = arith.constant 0 : index
    %get3A_13 = vector.load %arg0[%get3A_11, %get3A_12] : memref<128x128xf32, #tpu.memory_space<vmem>>, vector<128x128xf32>
    %dot_general3A = arith.constant dense<0.000000e+00> : vector<128x256xf32>
    %dot_general3A_14 = tpu.matmul %get3A_13, %get3A_1, %dot_general3A {dimension_numbers = #tpu.dot_dimension_numbers<[1], [0], [0], [1], [0, 0, 1, 1], [], []>, transpose_lhs_hint = false} : vector<128x128xf32>, vector<128x256xf32>, vector<128x256xf32> -> vector<128x256xf32>
    %swap3A = arith.constant 0 : index
    %swap3A_15 = arith.constant 0 : index
    %swap3A_16 = vector.load %arg10[%swap3A, %swap3A_15] : memref<128x256xf32, #tpu.memory_space<vmem>>, vector<128x256xf32>
    tpu.vector_store %arg10[%swap3A, %swap3A_15], %dot_general3A_14 {strides = array<i32>} : memref<128x256xf32, #tpu.memory_space<vmem>>, vector<128x256xf32>,
    %get3A_17 = arith.constant 0 : index
    %get3A_18 = arith.constant 0 : index
    %get3A_19 = vector.load %arg1[%get3A_17, %get3A_18] : memref<128x128xf32, #tpu.memory_space<vmem>>, vector<128x128xf32>
    %dot_general3A_20 = arith.constant dense<0.000000e+00> : vector<128x256xf32>
    %dot_general3A_21 = tpu.matmul %get3A_19, %get3A_4, %dot_general3A_20 {dimension_numbers = #tpu.dot_dimension_numbers<[1], [0], [0], [1], [0, 0, 1, 1], [], []>, transpose_lhs_hint = false} : vector<128x128xf32>, vector<128x256xf32>, vector<128x256xf32> -> vector<128x256xf32>
    %swap3A_22 = arith.constant 0 : index
    %swap3A_23 = arith.constant 0 : index
    %swap3A_24 = vector.load %arg11[%swap3A_22, %swap3A_23] : memref<128x256xf32, #tpu.memory_space<vmem>>, vector<128x256xf32>
    tpu.vector_store %arg11[%swap3A_22, %swap3A_23], %dot_general3A_21 {strides = array<i32>} : memref<128x256xf32, #tpu.memory_space<vmem>>, vector<128x256xf32>,
    %get3A_25 = arith.constant 0 : index
    %get3A_26 = arith.constant 0 : index
    %get3A_27 = vector.load %arg2[%get3A_25, %get3A_26] : memref<128x128xf32, #tpu.memory_space<vmem>>, vector<128x128xf32>
    %dot_general3A_28 = arith.constant dense<0.000000e+00> : vector<128x256xf32>
    %dot_general3A_29 = tpu.matmul %get3A_27, %get3A_7, %dot_general3A_28 {dimension_numbers = #tpu.dot_dimension_numbers<[1], [0], [0], [1], [0, 0, 1, 1], [], []>, transpose_lhs_hint = false} : vector<128x128xf32>, vector<128x256xf32>, vector<128x256xf32> -> vector<128x256xf32>
    %swap3A_30 = arith.constant 0 : index
    %swap3A_31 = arith.constant 0 : index
    %swap3A_32 = vector.load %arg12[%swap3A_30, %swap3A_31] : memref<128x256xf32, #tpu.memory_space<vmem>>, vector<128x256xf32>
    tpu.vector_store %arg12[%swap3A_30, %swap3A_31], %dot_general3A_29 {strides = array<i32>} : memref<128x256xf32, #tpu.memory_space<vmem>>, vector<128x256xf32>,
    %get3A_33 = arith.constant 0 : index
    %get3A_34 = arith.constant 0 : index
    %get3A_35 = vector.load %arg3[%get3A_33, %get3A_34] : memref<128x128xf32, #tpu.memory_space<vmem>>, vector<128x128xf32>
    %dot_general3A_36 = arith.constant dense<0.000000e+00> : vector<128x256xf32>
    %dot_general3A_37 = tpu.matmul %get3A_35, %get3A_10, %dot_general3A_36 {dimension_numbers = #tpu.dot_dimension_numbers<[1], [0], [0], [1], [0, 0, 1, 1], [], []>, transpose_lhs_hint = false} : vector<128x128xf32>, vector<128x256xf32>, vector<128x256xf32> -> vector<128x256xf32>
    %swap3A_38 = arith.constant 0 : index
    %swap3A_39 = arith.constant 0 : index
    %swap3A_40 = vector.load %arg13[%swap3A_38, %swap3A_39] : memref<128x256xf32, #tpu.memory_space<vmem>>, vector<128x256xf32>
    tpu.vector_store %arg13[%swap3A_38, %swap3A_39], %dot_general3A_37 {strides = array<i32>} : memref<128x256xf32, #tpu.memory_space<vmem>>, vector<128x256xf32>,
    %get3A_41 = arith.constant 0 : index
    %get3A_42 = arith.constant 0 : index
    %get3A_43 = vector.load %arg9[%get3A_41, %get3A_42] : memref<1x256xf32, #tpu.memory_space<vmem>>, vector<1x256xf32>
    %get3A_44 = arith.constant 0 : index
    %get3A_45 = arith.constant 0 : index
    %get3A_46 = vector.load %arg5[%get3A_44, %get3A_45] : memref<1x128xf32, #tpu.memory_space<vmem>>, vector<1x128xf32>
    %dot_general3A_47 = arith.constant dense<0.000000e+00> : vector<1x256xf32>
    %dot_general3A_48 = tpu.matmul %get3A_46, %get3A_1, %dot_general3A_47 {dimension_numbers = #tpu.dot_dimension_numbers<[1], [0], [0], [1], [0, 0, 1, 1], [], []>, transpose_lhs_hint = false} : vector<1x128xf32>, vector<128x256xf32>, vector<1x256xf32> -> vector<1x256xf32>
    %add3A = arith.addf %get3A_43, %dot_general3A_48 : vector<1x256xf32>
    %get3A_49 = arith.constant 0 : index
    %get3A_50 = arith.constant 0 : index
    %get3A_51 = vector.load %arg6[%get3A_49, %get3A_50] : memref<1x128xf32, #tpu.memory_space<vmem>>, vector<1x128xf32>
    %dot_general3A_52 = arith.constant dense<0.000000e+00> : vector<1x256xf32>
    %dot_general3A_53 = tpu.matmul %get3A_51, %get3A_4, %dot_general3A_52 {dimension_numbers = #tpu.dot_dimension_numbers<[1], [0], [0], [1], [0, 0, 1, 1], [], []>, transpose_lhs_hint = false} : vector<1x128xf32>, vector<128x256xf32>, vector<1x256xf32> -> vector<1x256xf32>
    %add3A_54 = arith.addf %add3A, %dot_general3A_53 : vector<1x256xf32>
    %get3A_55 = arith.constant 0 : index
    %get3A_56 = arith.constant 0 : index
    %get3A_57 = vector.load %arg7[%get3A_55, %get3A_56] : memref<1x128xf32, #tpu.memory_space<vmem>>, vector<1x128xf32>
    %dot_general3A_58 = arith.constant dense<0.000000e+00> : vector<1x256xf32>
    %dot_general3A_59 = tpu.matmul %get3A_57, %get3A_7, %dot_general3A_58 {dimension_numbers = #tpu.dot_dimension_numbers<[1], [0], [0], [1], [0, 0, 1, 1], [], []>, transpose_lhs_hint = false} : vector<1x128xf32>, vector<128x256xf32>, vector<1x256xf32> -> vector<1x256xf32>
    %add3A_60 = arith.addf %add3A_54, %dot_general3A_59 : vector<1x256xf32>
    %get3A_61 = arith.constant 0 : index
    %get3A_62 = arith.constant 0 : index
    %get3A_63 = vector.load %arg8[%get3A_61, %get3A_62] : memref<1x128xf32, #tpu.memory_space<vmem>>, vector<1x128xf32>
    %dot_general3A_64 = arith.constant dense<0.000000e+00> : vector<1x256xf32>
    %dot_general3A_65 = tpu.matmul %get3A_63, %get3A_10, %dot_general3A_64 {dimension_numbers = #tpu.dot_dimension_numbers<[1], [0], [0], [1], [0, 0, 1, 1], [], []>, transpose_lhs_hint = false} : vector<1x128xf32>, vector<128x256xf32>, vector<1x256xf32> -> vector<1x256xf32>
    %add3A_66 = arith.addf %add3A_60, %dot_general3A_65 : vector<1x256xf32>
    %swap3A_67 = arith.constant 0 : index
    %swap3A_68 = arith.constant 0 : index
    %swap3A_69 = vector.load %arg14[%swap3A_67, %swap3A_68] : memref<1x256xf32, #tpu.memory_space<vmem>>, vector<1x256xf32>
    tpu.vector_store %arg14[%swap3A_67, %swap3A_68], %add3A_66 {strides = array<i32>} : memref<1x256xf32, #tpu.memory_space<vmem>>, vector<1x256xf32>,
    return
  }
}

module attributes {stable_mosaic.version = 14 : i64} {
  func.func @_main_body(%arg0: i32, %arg1: memref<2000x128xf32, #tpu.memory_space<vmem>>, %arg2: memref<2000x128xf32, #tpu.memory_space<vmem>>, %arg3: memref<2x2000x128xf32, #tpu.memory_space<vmem>>, %arg4: memref<2x2000x128xf32, #tpu.memory_space<vmem>>, %arg5: memref<128x256xf32, #tpu.memory_space<vmem>>, %arg6: memref<128x256xf32, #tpu.memory_space<vmem>>, %arg7: memref<128x256xf32, #tpu.memory_space<vmem>>, %arg8: memref<128x256xf32, #tpu.memory_space<vmem>>, %arg9: memref<1x256xf32, #tpu.memory_space<vmem>>, %arg10: memref<2000x256xf32, #tpu.memory_space<vmem>>) attributes {dimension_semantics = [#tpu.dimension_semantics<arbitrary>], iteration_bounds = array<i64: 5>, scalar_prefetch = 0 : i64, scratch_operands = 0 : i64, tpu.core_type = #tpu.core_type<tc>, window_params = [{transform_indices = @transform_0, window_bounds = array<i64: 2000, 128>}, {transform_indices = @transform_1, window_bounds = array<i64: 2000, 128>}, {transform_indices = @transform_2, window_bounds = array<i64: 2, 2000, 128>}, {transform_indices = @transform_3, window_bounds = array<i64: 2, 2000, 128>}, {pipeline_mode = #tpu.pipeline_mode<synchronous>, transform_indices = @transform_4, window_bounds = array<i64: 128, 256>}, {pipeline_mode = #tpu.pipeline_mode<synchronous>, transform_indices = @transform_5, window_bounds = array<i64: 128, 256>}, {pipeline_mode = #tpu.pipeline_mode<synchronous>, transform_indices = @transform_6, window_bounds = array<i64: 128, 256>}, {pipeline_mode = #tpu.pipeline_mode<synchronous>, transform_indices = @transform_7, window_bounds = array<i64: 128, 256>}, {pipeline_mode = #tpu.pipeline_mode<synchronous>, transform_indices = @transform_8, window_bounds = array<i64: 1, 256>}, {transform_indices = @transform_9, window_bounds = array<i64: 2000, 256>}]} {
    %get3A = arith.constant 0 : index
    %get3A_0 = arith.constant 0 : index
    %get3A_1 = arith.constant 0 : index
    %get3A_2 = vector.load %arg4[%get3A, %get3A_0, %get3A_1] : memref<2x2000x128xf32, #tpu.memory_space<vmem>>, vector<1x2000x128xf32>
    %get3A_3 = vector.shape_cast %get3A_2 : vector<1x2000x128xf32> to vector<2000x128xf32>
    %get3A_4 = arith.constant 1 : index
    %get3A_5 = arith.constant 0 : index
    %get3A_6 = arith.constant 0 : index
    %get3A_7 = vector.load %arg4[%get3A_4, %get3A_5, %get3A_6] : memref<2x2000x128xf32, #tpu.memory_space<vmem>>, vector<1x2000x128xf32>
    %get3A_8 = vector.shape_cast %get3A_7 : vector<1x2000x128xf32> to vector<2000x128xf32>
    %add3A = arith.addf %get3A_3, %get3A_8 : vector<2000x128xf32>
    %max3A = arith.constant 1.000000e+00 : f32
    %max3A_9 = vector.broadcast %max3A : f32 to vector<2000x128xf32>
    %max3A_10 = arith.maximumf %add3A, %max3A_9 : vector<2000x128xf32>
    %div3A = arith.constant 1.000000e+00 : f32
    %div3A_11 = vector.broadcast %div3A : f32 to vector<2000x128xf32>
    %div3A_12 = arith.divf %div3A_11, %max3A_10 : vector<2000x128xf32>
    %get3A_13 = arith.constant 0 : index
    %get3A_14 = arith.constant 0 : index
    %get3A_15 = vector.load %arg1[%get3A_13, %get3A_14] : memref<2000x128xf32, #tpu.memory_space<vmem>>, vector<2000x128xf32>
    %get3A_16 = arith.constant 0 : index
    %get3A_17 = arith.constant 0 : index
    %get3A_18 = vector.load %arg5[%get3A_16, %get3A_17] : memref<128x256xf32, #tpu.memory_space<vmem>>, vector<128x256xf32>
    %dot_general3A = arith.constant dense<0.000000e+00> : vector<2000x256xf32>
    %dot_general3A_19 = tpu.matmul %get3A_15, %get3A_18, %dot_general3A {dimension_numbers = #tpu.dot_dimension_numbers<[1], [0], [0], [1], [0, 0, 1, 1], [], []>, transpose_lhs_hint = false} : vector<2000x128xf32>, vector<128x256xf32>, vector<2000x256xf32> -> vector<2000x256xf32>
    %get3A_20 = arith.constant 0 : index
    %get3A_21 = arith.constant 0 : index
    %get3A_22 = vector.load %arg2[%get3A_20, %get3A_21] : memref<2000x128xf32, #tpu.memory_space<vmem>>, vector<2000x128xf32>
    %get3A_23 = arith.constant 0 : index
    %get3A_24 = arith.constant 0 : index
    %get3A_25 = vector.load %arg7[%get3A_23, %get3A_24] : memref<128x256xf32, #tpu.memory_space<vmem>>, vector<128x256xf32>
    %dot_general3A_26 = arith.constant dense<0.000000e+00> : vector<2000x256xf32>
    %dot_general3A_27 = tpu.matmul %get3A_22, %get3A_25, %dot_general3A_26 {dimension_numbers = #tpu.dot_dimension_numbers<[1], [0], [0], [1], [0, 0, 1, 1], [], []>, transpose_lhs_hint = false} : vector<2000x128xf32>, vector<128x256xf32>, vector<2000x256xf32> -> vector<2000x256xf32>
    %add3A_28 = arith.addf %dot_general3A_19, %dot_general3A_27 : vector<2000x256xf32>
    %get3A_29 = arith.constant 0 : index
    %get3A_30 = arith.constant 0 : index
    %get3A_31 = arith.constant 0 : index
    %get3A_32 = vector.load %arg3[%get3A_29, %get3A_30, %get3A_31] : memref<2x2000x128xf32, #tpu.memory_space<vmem>>, vector<1x2000x128xf32>
    %get3A_33 = vector.shape_cast %get3A_32 : vector<1x2000x128xf32> to vector<2000x128xf32>
    %mul3A = arith.mulf %get3A_33, %div3A_12 : vector<2000x128xf32>
    %get3A_34 = arith.constant 0 : index
    %get3A_35 = arith.constant 0 : index
    %get3A_36 = vector.load %arg6[%get3A_34, %get3A_35] : memref<128x256xf32, #tpu.memory_space<vmem>>, vector<128x256xf32>
    %dot_general3A_37 = arith.constant dense<0.000000e+00> : vector<2000x256xf32>
    %dot_general3A_38 = tpu.matmul %mul3A, %get3A_36, %dot_general3A_37 {dimension_numbers = #tpu.dot_dimension_numbers<[1], [0], [0], [1], [0, 0, 1, 1], [], []>, transpose_lhs_hint = false} : vector<2000x128xf32>, vector<128x256xf32>, vector<2000x256xf32> -> vector<2000x256xf32>
    %add3A_39 = arith.addf %add3A_28, %dot_general3A_38 : vector<2000x256xf32>
    %get3A_40 = arith.constant 1 : index
    %get3A_41 = arith.constant 0 : index
    %get3A_42 = arith.constant 0 : index
    %get3A_43 = vector.load %arg3[%get3A_40, %get3A_41, %get3A_42] : memref<2x2000x128xf32, #tpu.memory_space<vmem>>, vector<1x2000x128xf32>
    %get3A_44 = vector.shape_cast %get3A_43 : vector<1x2000x128xf32> to vector<2000x128xf32>
    %mul3A_45 = arith.mulf %get3A_44, %div3A_12 : vector<2000x128xf32>
    %get3A_46 = arith.constant 0 : index
    %get3A_47 = arith.constant 0 : index
    %get3A_48 = vector.load %arg8[%get3A_46, %get3A_47] : memref<128x256xf32, #tpu.memory_space<vmem>>, vector<128x256xf32>
    %dot_general3A_49 = arith.constant dense<0.000000e+00> : vector<2000x256xf32>
    %dot_general3A_50 = tpu.matmul %mul3A_45, %get3A_48, %dot_general3A_49 {dimension_numbers = #tpu.dot_dimension_numbers<[1], [0], [0], [1], [0, 0, 1, 1], [], []>, transpose_lhs_hint = false} : vector<2000x128xf32>, vector<128x256xf32>, vector<2000x256xf32> -> vector<2000x256xf32>
    %add3A_51 = arith.addf %add3A_39, %dot_general3A_50 : vector<2000x256xf32>
    %get3A_52 = arith.constant 0 : index
    %get3A_53 = arith.constant 0 : index
    %get3A_54 = vector.load %arg9[%get3A_52, %get3A_53] : memref<1x256xf32, #tpu.memory_space<vmem>>, vector<1x256xf32>
    %add3A_55 = vector.broadcast %get3A_54 : vector<1x256xf32> to vector<2000x256xf32>
    %add3A_56 = arith.addf %add3A_51, %add3A_55 : vector<2000x256xf32>
    %swap3A = arith.constant 0 : index
    %swap3A_57 = arith.constant 0 : index
    %swap3A_58 = vector.load %arg10[%swap3A, %swap3A_57] : memref<2000x256xf32, #tpu.memory_space<vmem>>, vector<2000x256xf32>
    tpu.vector_store %arg10[%swap3A, %swap3A_57], %add3A_56 {strides = array<i32>} : memref<2000x256xf32, #tpu.memory_space<vmem>>, vector<2000x256xf32>,
    return
  }
  func.func @transform_0(%arg0: i32) -> (i32, i32) {
    %c0_i32 = arith.constant 0 : i32
    %c0_i32_0 = arith.constant 0 : i32
    return %arg0, %c0_i32 : i32, i32
  }
  func.func @transform_1(%arg0: i32) -> (i32, i32) {
    %c0_i32 = arith.constant 0 : i32
    %c0_i32_0 = arith.constant 0 : i32
    return %arg0, %c0_i32 : i32, i32
  }
  func.func @transform_2(%arg0: i32) -> (i32, i32, i32) {
    %c0_i32 = arith.constant 0 : i32
    %c0_i32_0 = arith.constant 0 : i32
    %c0_i32_1 = arith.constant 0 : i32
    return %c0_i32, %arg0, %c0_i32_0 : i32, i32, i32
  }
  func.func @transform_3(%arg0: i32) -> (i32, i32, i32) {
    %c0_i32 = arith.constant 0 : i32
    %c0_i32_0 = arith.constant 0 : i32
    %c0_i32_1 = arith.constant 0 : i32
    return %c0_i32, %arg0, %c0_i32_0 : i32, i32, i32
  }
  func.func @transform_4(%arg0: i32) -> (i32, i32) {
    %c0_i32 = arith.constant 0 : i32
    %c0_i32_0 = arith.constant 0 : i32
    %c0_i32_1 = arith.constant 0 : i32
    return %c0_i32, %c0_i32_0 : i32, i32
  }
  func.func @transform_5(%arg0: i32) -> (i32, i32) {
    %c0_i32 = arith.constant 0 : i32
    %c0_i32_0 = arith.constant 0 : i32
    %c0_i32_1 = arith.constant 0 : i32
    return %c0_i32, %c0_i32_0 : i32, i32
  }
  func.func @transform_6(%arg0: i32) -> (i32, i32) {
    %c0_i32 = arith.constant 0 : i32
    %c0_i32_0 = arith.constant 0 : i32
    %c0_i32_1 = arith.constant 0 : i32
    return %c0_i32, %c0_i32_0 : i32, i32
  }
  func.func @transform_7(%arg0: i32) -> (i32, i32) {
    %c0_i32 = arith.constant 0 : i32
    %c0_i32_0 = arith.constant 0 : i32
    %c0_i32_1 = arith.constant 0 : i32
    return %c0_i32, %c0_i32_0 : i32, i32
  }
  func.func @transform_8(%arg0: i32) -> (i32, i32) {
    %c0_i32 = arith.constant 0 : i32
    %c0_i32_0 = arith.constant 0 : i32
    %c0_i32_1 = arith.constant 0 : i32
    return %c0_i32, %c0_i32_0 : i32, i32
  }
  func.func @transform_9(%arg0: i32) -> (i32, i32) {
    %c0_i32 = arith.constant 0 : i32
    %c0_i32_0 = arith.constant 0 : i32
    return %arg0, %c0_i32 : i32, i32
  }
}

</mosaic_0001>

<sc_bundles>
// kernel: kernel.6.cloned.1.call-start
scs
__scs_entry_jumppad:
0x0: {  	(pc) =	sbr.rel $0x88, $3  }
0x1: {  	(tag) =	ssettag $0x0;
	lr =	simm.s32 $0x1  }
0x2: {  	[smem:$0x3F94] =	sst lr;
	_ =	strace $0xD0000000  }
0x3: {  	_ = 	snop  }
0x4: {  	_ = 	snop  }
0x5: {  	_ = 	snop  }
0x6: {  	_ = 	snop  }
0x7: {  	_ = 	snop  }
__scs_overlays_trampoline_lowered:
0x8: {  	[smem:$0x3FA3] =	sst s0  }
0x9: {  	[smem:$0x3FA4] =	sst s1  }
0xa: {  	[smem:$0x3FA5] =	sst s2  }
0xb: {  	[smem:$0x3FA6] =	sst s3  }
0xc: {  	[smem:$0x3FA7] =	sst s4  }
0xd: {  	[smem:$0x3FA8] =	sst s5  }
0xe: {  	[smem:$0x3FA9] =	sst s6  }
0xf: {  	[smem:$0x3FAA] =	sst s7  }
0x10: {  	[smem:$0x3FAB] =	sst s8  }
0x11: {  	[smem:$0x3FAC] =	sst s9;
	s0 =	simm.s32 @!p0 $0x0  }
0x12: {  	s1 =	sld [smem:$0x3F92];
	s0 =	simm.s32 @p0 $0x1  }
0x13: {  	[smem:$0x3FAD] =	sst s0;
	s0 =	simm.s32 @!p1 $0x0  }
0x14: {  	s2 =	sld [smem:$0x3F91];
	s0 =	simm.s32 @p1 $0x1  }
0x15: {  	[smem:$0x3FAE] =	sst s0;
	s0 =	simm.s32 @!p2 $0x0  }
0x16: {  	s3 =	sld [smem:$0x3FDB];
	s0 =	simm.s32 @p2 $0x1  }
0x17: {  	s4 =	simm.s32 $0x1BF5;
	[smem:$0x3FB0] =	sst s0  }
0x18: {  	s0 =	sld [smem:$0x3F93];
	_ =	swait.ge [sflag:s4], $0x0  }
0x19: {  	s7 =	sld [smem:$0x3F94]  }
0x1a: {  	s8 =	sadd.s32 $0xFFFFE003, lr  }
0x1b: {  	s9 =	sadd.s32 $0xFFFFFEF7, lr;
	s5 =	simm.s32 $0xFFFFFFFF;
	p2 =	slt.u32 s8, $0xFFFFF086  }
0x1c: {  	p1 =	slt.u32 s9, $0xF7A;
	s5 =	simm.s32 @!p2 $0x0  }
0x1d: {  	s5 =	simm.s32 @p1 $0x1;
	p0 =	seq.s32 s7, s2  }
0x1e: {  	s7 =	smul.u32 @!p0 $0xF7A, s2;
	p2 =	seq.s32 @!p0 s5, $0x0  }
0x1f: {  	s9 =	smul.u32 $0xF7A, s1;
	s8 =	simm.s32 @!p0 $0x1BF5;
	p2 =	por !p2, p0  }
0x20: {  	[sflag:s8] =	ssyncset.s32 @!p0 $0xFFFFF086;
	s6 =	sadd.s32 @!p0 s3, s7;
	s7 =	simm.s32 @!p0 $0x108  }
0x21: {  	s3 =	sadd.s32 s3, s9;
	s6 =	sadd.s32 @!p0 $0x88, s6;
	s7 =	simm.s32 @p2 $0x1082  }
0x22: {  	[simem:s7], [sflag:s8] =	dma.local @!p0 [hbm:s6], $0xF7A  }
0x23: {  	s9 =	sor.u32 $0xD0000000, s2;
	s6 =	simm.s32 $0x108;
	_ =	swait.ge @!p0 [sflag:s8], $0x0  }
0x24: {  	s3 =	sadd.s32 $0x88, s3;
	s6 =	simm.s32 @!p1 $0x1082;
	[sflag:s4] =	ssyncset.s32 $0xFFFFF086  }
0x25: {  	[simem:s6], [sflag:s4] =	dma.local [hbm:s3], $0xF7A  }
0x26: {  	[smem:$0x3F94] =	sst s1;
	(tag) =	ssettag s2;
	_ =	strace s9  }
0x27: {  	s1 =	sld [smem:$0x3FA4]  }
0x28: {  	s2 =	sld [smem:$0x3FA5]  }
0x29: {  	s4 =	sld [smem:$0x3FA7]  }
0x2a: {  	p0 =	seq.s32 s5, $0x0;
	s5 =	sld [smem:$0x3FA8]  }
0x2b: {  	s6 =	sld [smem:$0x3FA9]  }
0x2c: {  	s7 =	sld [smem:$0x3FAA]  }
0x2d: {  	s3 =	simm.s32 $0x108;
	s8 =	sld [smem:$0x3FAB]  }
0x2e: {  	s3 =	simm.s32 @!p0 $0x1082;
	s9 =	sld [smem:$0x3FAC]  }
0x2f: {  	lr =	sadd.s32 s0, s3;
	s0 =	sld [smem:$0x3FA3]  }
0x30: {  	s3 =	sld [smem:$0x3FA6]  }
0x31: {  	[smem:$0x3FAF] =	sst s10  }
0x32: {  	s10 =	sld [smem:$0x3FAD];
	_ =	sdelay $0x3  }
0x33: {  	p0 =	seq.s32 s10, $0x1;
	s10 =	sld [smem:$0x3FAF];
	_ =	sdelay $0x3  }
0x34: {  	[smem:$0x3FAF] =	sst s10  }
0x35: {  	s10 =	sld [smem:$0x3FAE];
	_ =	sdelay $0x3  }
0x36: {  	p1 =	seq.s32 s10, $0x1;
	s10 =	sld [smem:$0x3FAF];
	_ =	sdelay $0x3  }
0x37: {  	[smem:$0x3FAF] =	sst s10  }
0x38: {  	s10 =	sld [smem:$0x3FB0]  }
0x39: {  	_ = 	snop;
	(pc) =	sbr.ind lr, $3  }
0x3a: {  	_ = 	snop  }
0x3b: {  	_ = 	snop  }
0x3c: {  	p2 =	seq.s32 s10, $0x1;
	s10 =	sld [smem:$0x3FAF]  }
0x3d: {  	_ =	shalt  }
0x3e: {  	_ =	shalt  }
0x3f: {  	_ =	shalt  }
0x40: {  	_ =	shalt  }
0x41: {  	_ =	shalt  }
0x42: {  	_ =	shalt  }
0x43: {  	_ =	shalt  }
0x44: {  	_ =	shalt  }
0x45: {  	_ =	shalt  }
0x46: {  	_ =	shalt  }
0x47: {  	_ =	shalt  }
0x48: {  	_ =	shalt  }
0x49: {  	_ =	shalt  }
0x4a: {  	_ =	shalt  }
0x4b: {  	_ =	shalt  }
0x4c: {  	_ =	shalt  }
0x4d: {  	_ =	shalt  }
0x4e: {  	_ =	shalt  }
0x4f: {  	_ =	shalt  }
0x50: {  	_ =	shalt  }
0x51: {  	_ =	shalt  }
0x52: {  	_ =	shalt  }
0x53: {  	_ =	shalt  }
0x54: {  	_ =	shalt  }
0x55: {  	_ =	shalt  }
0x56: {  	_ =	shalt  }
0x57: {  	_ =	shalt  }
0x58: {  	_ =	shalt  }
0x59: {  	_ =	shalt  }
0x5a: {  	_ =	shalt  }
0x5b: {  	_ =	shalt  }
0x5c: {  	_ =	shalt  }
0x5d: {  	_ =	shalt  }
0x5e: {  	_ =	shalt  }
0x5f: {  	_ =	shalt  }
0x60: {  	_ =	shalt  }
0x61: {  	_ =	shalt  }
0x62: {  	_ =	shalt  }
0x63: {  	_ =	shalt  }
0x64: {  	_ =	shalt  }
0x65: {  	_ =	shalt  }
0x66: {  	_ =	shalt  }
0x67: {  	_ =	shalt  }
0x68: {  	_ =	shalt  }
0x69: {  	_ =	shalt  }
0x6a: {  	_ =	shalt  }
0x6b: {  	_ =	shalt  }
0x6c: {  	_ =	shalt  }
0x6d: {  	_ =	shalt  }
0x6e: {  	_ =	shalt  }
0x6f: {  	_ =	shalt  }
0x70: {  	_ =	shalt  }
0x71: {  	_ =	shalt  }
0x72: {  	_ =	shalt  }
0x73: {  	_ =	shalt  }
0x74: {  	_ =	shalt  }
0x75: {  	_ =	shalt  }
0x76: {  	_ =	shalt  }
0x77: {  	_ =	shalt  }
0x78: {  	_ =	shalt  }
0x79: {  	_ =	shalt  }
0x7a: {  	_ =	shalt  }
0x7b: {  	_ =	shalt  }
0x7c: {  	_ =	shalt  }
0x7d: {  	_ =	shalt  }
0x7e: {  	_ =	shalt  }
0x7f: {  	_ =	shalt  }
0x80: {  	_ =	shalt  }
0x81: {  	_ =	shalt  }
0x82: {  	_ =	shalt  }
0x83: {  	_ =	shalt  }
0x84: {  	_ =	shalt  }
0x85: {  	_ =	shalt  }
0x86: {  	_ =	shalt  }
0x87: {  	_ =	shalt  }
.Lfunc_end0:
.L_simem_size_0:
called_computation_lowered:
.L_overlay_start_0:
0x88: {  	s2 =	sld [smem:$0x3FD9]  }
0x89: {  	s3 =	sld [smem:$0x3FFE];
	_ =	sdelay $0x1  }
0x8a: {  	s1 =	srdreg.scid  }
0x8b: {  	s0 =	sand.u32 $0x1, s1  }
0x8c: {  	s17 =	sshll.u32 s0, $0xA;
	s2 =	sadd.s32 s3, s2  }
0x8d: {  	s2 =	sadd.s32 s2, s17  }
0x8e: {  	[smem:$0x3FBB] =	sst s2  }
0x8f: {  	_ = 	snop  }
0x90: {  	s2 =	sld [smem:$0x3FD0];
	(tm) =	ssettm $0x1  }
0x91: {  	s18 =	sld [smem:$0x3FFB];
	_ =	sdelay $0x3  }
0x92: {  	_ =	strace s18  }
0x93: {  	s3 =	sld [smem:$0x3FFC];
	_ =	sdelay $0x3  }
0x94: {  	_ =	strace s3  }
0x95: {  	s3 =	sld [smem:$0x3FFD];
	_ =	sdelay $0x3  }
0x96: {  	_ =	strace s3  }
0x97: {  	_ =	strace $0x8FFFFFFF  }
0x98: {  	s19 =	sld [smem:$0x3FDB];
	_ =	sdelay $0x1  }
0x99: {  	s4 =	simm.s32 $_scs_section_size  }
0x9a: {  	s5 =	simm.s32 $_size__tile_overlayer_lowered;
	s6 =	simm.s32 $_tile_overlayer_lowered  }
0x9b: {  	s22 =	simm.s32 $0x1BFF;
	s21 =	sshll.u32 s6, $0x1;
	s3 =	sadd.s32 s4, s19  }
0x9c: {  	s7 =	simm.s32 $0x0;
	s20 =	sshll.u32 s5, $0x1;
	s5 =	sadd.s32 s21, s3  }
0x9d: {  	[timem:s7], [sflag:s22] =	dma.local [hbm:s5], s20  }
0x9e: {  	_ =	swait.ge [sflag:s22], s20  }
0x9f: {  	s4 =	ssub.s32 $0x0, s20;
	[sflag:s22] =	ssyncset.done $0x0  }
0xa0: {  	[sflag:s22] =	ssyncadd.s32 s4;
	_ =	sdelay $0x1  }
0xa1: {  	s23 =	simm.s32 $0x1B8B  }
0xa2: {  	_ =	swait.ge [sflag:s23], $0x1  }
0xa3: {  	[sflag:s23] =	ssyncset.done $0x0  }
0xa4: {  	s25 =	simm.s32 $0x1B8E;
	s24 =	sld [smem:$0x3FFE];
	[sflag:s23] =	ssyncadd.s32 $0xFFFFFFFF  }
0xa5: {  	s26 =	simm.s32 $execute0_lowered;
	[smem:$0x3FD2] =	sst s25  }
0xa6: {  	s5 =	sshll.u32 s26, $0x1;
	_ =	strace $0x80000046;
	[dreg:$0x1] =	wrdreg $0xFFFFFFFF  }
0xa7: {  	s28 =	simm.s32 $_size_execute0_lowered;
	s3 =	sadd.s32 s3, s5;
	[dreg:$0x0] =	wrdreg $0x0  }
0xa8: {  	s5 =	sshll.u32 s28, $0x1;
	[dreg:$0x2] =	wrdreg s3  }
0xa9: {  	[dreg:$0x3] =	wrdreg s5  }
0xaa: {  	[dreg:$0x4] =	wrdreg $0xC0  }
0xab: {  	_ =	task [dreg:s7], $0x5FFFF  }
0xac: {  	[dreg:$0x1] =	wrdreg $0xFFFFFFFF  }
0xad: {  	[dreg:$0x0] =	wrdreg $0x60  }
0xae: {  	[dreg:$0x2] =	wrdreg s2  }
0xaf: {  	[dreg:$0x3] =	wrdreg s24  }
0xb0: {  	[dreg:$0x4] =	wrdreg $0x0  }
0xb1: {  	[dreg:$0x5] =	wrdreg $0x9  }
0xb2: {  	_ =	task.clear_ibuf [dreg:s7], $0x6FFFF;
	_ =	strace $0x90000046  }
0xb3: {  	s29 =	simm.s32 $0x9;
	_ =	strace $0x80000048  }
0xb4: {  	_ =	swait.ge [sflag:s29], $0x1  }
0xb5: {  	[sflag:s29] =	ssyncadd.s32 $0xFFFFFFFF  }
0xb6: {  	_ =	strace $0x90000048  }
0xb7: {  	_ =	sfence  }
0xb8: {  	s30 =	sld [smem:$0x0];
	_ =	sdelay $0x2  }
0xb9: {  	s31 =	sshll.u32 s1, $0xD;
	s1 =	sshrl.u32 s1, $0x2  }
0xba: {  	s3 =	sand.u32 $0x4000, s31;
	s1 =	sadd.s32 s1, s30  }
0xbb: {  	s0 =	sor.u32 s3, s0;
	s1 =	sshll.u32 s1, $0x11  }
0xbc: {  	s0 =	sor.u32 s1, s0  }
0xbd: {  	s0 =	sadd.s32 $0x8F2B, s0  }
0xbe: {  	[sflag:s0] =	ssyncadd.remote.s32 $0x1  }
0xbf: {  	_ =	sfence.sel $0xFFFF  }
0xc0: {  	[dreg:$0x0] =	wrdreg $0xFFFFFFFF;
	(pc) =	sbr.abs _section_cstart, $3  }
0xc1: {  	[dreg:$0x1] =	wrdreg $0xFFFFFFFF  }
0xc2: {  	_ =	task.clear_ibuf [dreg:s7], $0x2FFFF;
	_ =	strace $0x9FFFFFFF  }
0xc3: {  	(tm) =	ssettm $0x7FFFFFFF  }
tec
execute0_lowered:
.L_overlay_start_1:
0x0: {  	(tag) =	ssettag $0x1  }
0x1: {  	s0 =	rddreg [dreg:$0x0]  }
0x2: {  	s1 =	rddreg [dreg:$0x1];
	s2 =	srdreg.scid  }
0x3: {  	s3 =	rddreg [dreg:$0x2];
	s11 =	stileid.u32;
	s4 =	simm.s32 $0x0  }
0x4: {  	s28 =	simm.s32 $0x18000;
	s29 =	simm.s32 $0x14080;
	s30 =	simm.s32 $0x1A000  }
0x5: {  	s31 =	simm.s32 $0x140C0;
	s12 =	simm.s32 $0x4;
	s13 =	simm.s32 $0x15F00  }
0x6: {  	s14 =	simm.s32 $0x15F40;
	s2 =	sand.u32 $0x1, s2;
	s8 =	smul.u32 $0x50000, s11  }
0x7: {  	s15 =	simm.s32 $0x15F80;
	s6 =	smul.u32 $0x14000, s11;
	s9 =	ssub.s32 $0x2, s2  }
0x8: {  	[smem:$0x7FF] =	sst s4;
	s10 =	sshrl.u32 s9, $0x1;
	s8 =	sshrl.u32 s8, $0x2  }
0x9: {  	s5 =	smul.u32 $0x140000, s2;
	s10 =	ssub.s32 s9, s10;
	s19 =	sadd.s32 s8, s3  }
0xa: {  	_ =	strace $0x80000047;
	s16 =	smax.u32 s10, $0x1;
	[dreg:$0x4] =	wrdreg s19  }
0xb: {  	s6 =	sadd.s32 s6, s5;
	s17 =	sadd.s32 $0x2000, s19;
	[dreg:$0x6] =	wrdreg s16  }
0xc: {  	s5 =	sadd.s32 $0x16C00, s1;
	s18 =	sadd.s32 $0x4000, s19;
	[dreg:$0x7] =	wrdreg s17  }
0xd: {  	s9 =	smul.u32 $0x50000, s2;
	s20 =	sadd.s32 $0x6000, s19;
	[dreg:$0x8] =	wrdreg s18  }
0xe: {  	s2 =	simm.s32 $0x1;
	s21 =	sadd.s32 $0x8000, s19;
	[dreg:$0x9] =	wrdreg s20  }
0xf: {  	s7 =	sshrl.u32 s6, $0x3;
	s22 =	sadd.s32 $0xA000, s19;
	[dreg:$0xa] =	wrdreg s21  }
0x10: {  	s6 =	sadd.s32 $0x2C00, s1;
	s23 =	sadd.s32 $0xC000, s19;
	[dreg:$0xb] =	wrdreg s22  }
0x11: {  	s24 =	sadd.s32 $0xE000, s19;
	s25 =	sadd.s32 $0x10000, s19;
	[dreg:$0xc] =	wrdreg s23  }
0x12: {  	s26 =	sadd.s32 $0x12000, s19;
	s10 =	simm.s32 $0x2;
	[dreg:$0xd] =	wrdreg s24  }
0x13: {  	s1 =	sadd.s32 s7, s1;
	s7 =	smul.u32 $0x5000, s11;
	[dreg:$0xe] =	wrdreg s25  }
0x14: {  	[dreg:$0xf] =	wrdreg s26;
	s21 =	simm.s32 $0x16000;
	s22 =	simm.s32 $0x5  }
0x15: {  	s23 =	simm.s32 $0x14000;
	s24 =	simm.s32 $0x15000;
	s25 =	simm.s32 $0x40  }
0x16: {  	s26 =	simm.s32 $0x14040;
	s11 =	simm.s32 $0x3;
	s1 =	sadd.s32 $0x2AC00, s1  }
0x17: {  	v0 =	vimm.f32 $0.0e+00;
	s16 =	simm.s32 $0x15FC0;
	[dreg:$0x5] =	wrdreg s1;
	s1 =	simm.s32 $0x1C000  }
.LBB2_1:
0x18: {  	s17 =	simm.s32 $0x0;
	s18 =	simm.s32 $0x200  }
.LBB2_2:
0x19: {  	p0 =	sne.s32 s18, $0x7E00;
	[tilespmem:s17+$0x16070] =	vst v0  }
0x1a: {  	[tilespmem:s17+$0x16000] =	vst v0  }
0x1b: {  	[tilespmem:s17+$0x16010] =	vst v0  }
.Ltmp0:
0x1c: {  	[tilespmem:s17+$0x16020] =	vst v0;
	(pc) =	sbr.rel @p0 .LBB2_2-.Ltmp0, $4  }
0x1d: {  	[tilespmem:s17+$0x16030] =	vst v0  }
0x1e: {  	[tilespmem:s17+$0x16040] =	vst v0  }
0x1f: {  	[tilespmem:s17+$0x16050] =	vst v0  }
0x20: {  	[tilespmem:s17+$0x16060] =	vst v0;
	s17 =	sshra.s32 s18, $0x2;
	s18 =	sadd.s32 $0x200, s18  }
0x21: {  	[tilespmem:s17+$0x16070] =	vst v0  }
0x22: {  	[tilespmem:s17+$0x16000] =	vst v0  }
0x23: {  	[tilespmem:s17+$0x16010] =	vst v0  }
0x24: {  	[tilespmem:s17+$0x16020] =	vst v0  }
0x25: {  	[tilespmem:s17+$0x16030] =	vst v0  }
0x26: {  	[tilespmem:s17+$0x16040] =	vst v0  }
0x27: {  	[tilespmem:s17+$0x16050] =	vst v0  }
0x28: {  	[tilespmem:s17+$0x16060] =	vst v0  }
0x29: {  	[spmem:s19] =	stream.linear.scatter [tilespmem:s21], [sflag:$0x5], $0x2000, $0x38;
	[tilespmem:$0x1E000] =	vst v63  }
0x2a: {  	_ =	swait.ge [sflag:s22], $0x2000  }
0x2b: {  	[sflag:s22] =	ssyncset.done $0x0  }
0x2c: {  	s8 =	rddreg [dreg:$0x7];
	[sflag:s22] =	ssyncadd.s32 $0xFFFFE000  }
0x2d: {  	[spmem:s8] =	stream.linear.scatter [tilespmem:s21], [sflag:$0x5], $0x2000, $0x38;
	[tilespmem:$0x1E000] =	vst v63  }
0x2e: {  	_ =	swait.ge [sflag:s22], $0x2000  }
0x2f: {  	[sflag:s22] =	ssyncset.done $0x0  }
0x30: {  	s17 =	rddreg [dreg:$0x8];
	[sflag:s22] =	ssyncadd.s32 $0xFFFFE000  }
0x31: {  	[spmem:s17] =	stream.linear.scatter [tilespmem:s21], [sflag:$0x5], $0x2000, $0x38;
	[tilespmem:$0x1E000] =	vst v63  }
0x32: {  	_ =	swait.ge [sflag:s22], $0x2000  }
0x33: {  	[sflag:s22] =	ssyncset.done $0x0  }
0x34: {  	s18 =	rddreg [dreg:$0x9];
	[sflag:s22] =	ssyncadd.s32 $0xFFFFE000  }
0x35: {  	[spmem:s18] =	stream.linear.scatter [tilespmem:s21], [sflag:$0x5], $0x2000, $0x38;
	[tilespmem:$0x1E000] =	vst v63  }
0x36: {  	_ =	swait.ge [sflag:s22], $0x2000  }
0x37: {  	[sflag:s22] =	ssyncset.done $0x0  }
0x38: {  	s19 =	rddreg [dreg:$0xa];
	[sflag:s22] =	ssyncadd.s32 $0xFFFFE000  }
0x39: {  	[spmem:s19] =	stream.linear.scatter [tilespmem:s21], [sflag:$0x5], $0x2000, $0x38;
	[tilespmem:$0x1E000] =	vst v63  }
0x3a: {  	_ =	swait.ge [sflag:s22], $0x2000  }
0x3b: {  	[sflag:s22] =	ssyncset.done $0x0  }
0x3c: {  	s20 =	rddreg [dreg:$0xb];
	[sflag:s22] =	ssyncadd.s32 $0xFFFFE000  }
0x3d: {  	[spmem:s20] =	stream.linear.scatter [tilespmem:s21], [sflag:$0x5], $0x2000, $0x38;
	[tilespmem:$0x1E000] =	vst v63  }
0x3e: {  	_ =	swait.ge [sflag:s22], $0x2000  }
0x3f: {  	[sflag:s22] =	ssyncset.done $0x0  }
0x40: {  	s17 =	rddreg [dreg:$0xc];
	[sflag:s22] =	ssyncadd.s32 $0xFFFFE000  }
0x41: {  	[spmem:s17] =	stream.linear.scatter [tilespmem:s21], [sflag:$0x5], $0x2000, $0x38;
	[tilespmem:$0x1E000] =	vst v63  }
0x42: {  	_ =	swait.ge [sflag:s22], $0x2000  }
0x43: {  	[sflag:s22] =	ssyncset.done $0x0  }
0x44: {  	s18 =	rddreg [dreg:$0xd];
	[sflag:s22] =	ssyncadd.s32 $0xFFFFE000  }
0x45: {  	[spmem:s18] =	stream.linear.scatter [tilespmem:s21], [sflag:$0x5], $0x2000, $0x38;
	[tilespmem:$0x1E000] =	vst v63  }
0x46: {  	_ =	swait.ge [sflag:s22], $0x2000  }
0x47: {  	[sflag:s22] =	ssyncset.done $0x0  }
0x48: {  	s19 =	rddreg [dreg:$0xe];
	[sflag:s22] =	ssyncadd.s32 $0xFFFFE000  }
0x49: {  	[spmem:s19] =	stream.linear.scatter [tilespmem:s21], [sflag:$0x5], $0x2000, $0x38;
	[tilespmem:$0x1E000] =	vst v63  }
0x4a: {  	_ =	swait.ge [sflag:s22], $0x2000  }
0x4b: {  	[sflag:s22] =	ssyncset.done $0x0  }
0x4c: {  	s20 =	rddreg [dreg:$0xf];
	[sflag:s22] =	ssyncadd.s32 $0xFFFFE000  }
0x4d: {  	[spmem:s20] =	stream.linear.scatter [tilespmem:s21], [sflag:$0x5], $0x2000, $0x38;
	[tilespmem:$0x1E000] =	vst v63  }
0x4e: {  	_ =	swait.ge [sflag:s22], $0x2000  }
0x4f: {  	[sflag:s22] =	ssyncset.done $0x0  }
0x50: {  	[sflag:s22] =	ssyncadd.s32 $0xFFFFE000  }
0x51: {  	s17 =	simm.s32 $0x0;
	s18 =	simm.s32 $0x0;
	[bflag:$0x0] =	sbarrier.arrive $0xFFFF  }
.LBB2_4:
0x52: {  	s19 =	sshll.u32 s18, $0xC  }
0x53: {  	s19 =	sadd.s32 s7, s19  }
0x54: {  	s20 =	sadd.s32 s9, s19  }
0x55: {  	s20 =	sshrl.u32 s20, $0x3  }
0x56: {  	s20 =	sadd.s32 s5, s20  }
0x57: {  	[tilespmem:s23], [sflag:$0x5] =	stream.linear.gather [hbm4b:s20+s17], $0x1000, $0x38;
	[tilespmem:$0x1E000] =	vst v63  }
0x58: {  	_ =	swait.ge [sflag:s22], $0x1000  }
0x59: {  	s19 =	sshrl.u32 s19, $0x3;
	[sflag:s22] =	ssyncset.done $0x0  }
0x5a: {  	s19 =	sadd.s32 s6, s19;
	[sflag:s22] =	ssyncadd.s32 $0xFFFFF000  }
0x5b: {  	[tilespmem:s24], [sflag:$0x5] =	stream.linear.gather [hbm4b:s19+s17], $0x1000, $0x38;
	[tilespmem:$0x1E000] =	vst v63  }
0x5c: {  	_ =	swait.ge [sflag:s22], $0x1000  }
0x5d: {  	[sflag:s22] =	ssyncset.done $0x0  }
0x5e: {  	[sflag:s22] =	ssyncadd.s32 $0xFFFFF000  }
0x5f: {  	[tilespmem:s21], [sflag:$0x1] =	stream.indirect.gather [hbm4b:s0+s25], $0x80, s23, s25, $0xb8;
	[tilespmem:$0x1E000] =	vst v63  }
0x60: {  	_ = 	snop  }
0x61: {  	[tilespmem:s28], [sflag:$0x2] =	stream.indirect.gather [hbm4b:s0+s25], $0x80, s26, s25, $0xb8;
	[tilespmem:$0x1E000] =	vst v63  }
0x62: {  	_ = 	snop  }
0x63: {  	[tilespmem:s30], [sflag:$0x3] =	stream.indirect.gather [hbm4b:s0+s25], $0x80, s29, s25, $0xb8;
	[tilespmem:$0x1E000] =	vst v63  }
0x64: {  	_ = 	snop  }
0x65: {  	[tilespmem:s1], [sflag:$0x4] =	stream.indirect.gather [hbm4b:s0+s25], $0x80, s31, s25, $0xb8;
	[tilespmem:$0x1E000] =	vst v63  }
0x66: {  	_ =	swait.ge [sflag:s2], $0x2000  }
0x67: {  	[sflag:s2] =	ssyncset.done $0x0  }
0x68: {  	s20 =	simm.s32 $0x15000;
	[sflag:s2] =	ssyncadd.s32 $0xFFFFE000  }
0x69: {  	[spmem:s3] =	stream.indirect.scatter.add.f32 [tilespmem:s21], [sflag:$0x5], $0x80, s20, s25, $0xb8;
	[tilespmem:$0x1E000] =	vst v63  }
0x6a: {  	_ =	swait.ge [sflag:s22], $0x2000  }
0x6b: {  	[sflag:s22] =	ssyncset.done $0x0  }
0x6c: {  	s8 =	simm.s32 $0x14100;
	[sflag:s22] =	ssyncadd.s32 $0xFFFFE000  }
0x6d: {  	[tilespmem:s21], [sflag:$0x1] =	stream.indirect.gather [hbm4b:s0+s25], $0x80, s8, s25, $0xb8;
	[tilespmem:$0x1E000] =	vst v63  }
0x6e: {  	_ =	swait.ge [sflag:s10], $0x2000  }
0x6f: {  	[sflag:s10] =	ssyncset.done $0x0  }
0x70: {  	s20 =	simm.s32 $0x15040;
	[sflag:s10] =	ssyncadd.s32 $0xFFFFE000  }
0x71: {  	[spmem:s3] =	stream.indirect.scatter.add.f32 [tilespmem:s28], [sflag:$0x5], $0x80, s20, s25, $0xb8;
	[tilespmem:$0x1E000] =	vst v63  }
0x72: {  	_ =	swait.ge [sflag:s22], $0x2000  }
0x73: {  	[sflag:s22] =	ssyncset.done $0x0  }
0x74: {  	s8 =	simm.s32 $0x14140;
	[sflag:s22] =	ssyncadd.s32 $0xFFFFE000  }
0x75: {  	[tilespmem:s28], [sflag:$0x2] =	stream.indirect.gather [hbm4b:s0+s25], $0x80, s8, s25, $0xb8;
	[tilespmem:$0x1E000] =	vst v63  }
0x76: {  	_ =	swait.ge [sflag:s11], $0x2000  }
0x77: {  	[sflag:s11] =	ssyncset.done $0x0  }
0x78: {  	s20 =	simm.s32 $0x15080;
	[sflag:s11] =	ssyncadd.s32 $0xFFFFE000  }
0x79: {  	[spmem:s3] =	stream.indirect.scatter.add.f32 [tilespmem:s30], [sflag:$0x5], $0x80, s20, s25, $0xb8;
	[tilespmem:$0x1E000] =	vst v63  }
0x7a: {  	_ =	swait.ge [sflag:s22], $0x2000  }
0x7b: {  	[sflag:s22] =	ssyncset.done $0x0  }
0x7c: {  	s8 =	simm.s32 $0x14180;
	[sflag:s22] =	ssyncadd.s32 $0xFFFFE000  }
0x7d: {  	[tilespmem:s30], [sflag:$0x3] =	stream.indirect.gather [hbm4b:s0+s25], $0x80, s8, s25, $0xb8;
	[tilespmem:$0x1E000] =	vst v63  }
0x7e: {  	_ =	swait.ge [sflag:s12], $0x2000  }
0x7f: {  	[sflag:s12] =	ssyncset.done $0x0  }
0x80: {  	s20 =	simm.s32 $0x150C0;
	[sflag:s12] =	ssyncadd.s32 $0xFFFFE000  }
0x81: {  	[spmem:s3] =	stream.indirect.scatter.add.f32 [tilespmem:s1], [sflag:$0x5], $0x80, s20, s25, $0xb8;
	[tilespmem:$0x1E000] =	vst v63  }
0x82: {  	_ =	swait.ge [sflag:s22], $0x2000  }
0x83: {  	[sflag:s22] =	ssyncset.done $0x0  }
0x84: {  	s19 =	simm.s32 $0x400;
	s20 =	simm.s32 $0x141C0;
	[sflag:s22] =	ssyncadd.s32 $0xFFFFE000  }
.LBB2_5:
0x85: {  	[tilespmem:s1], [sflag:$0x4] =	stream.indirect.gather [hbm4b:s0+s25], $0x80, s20, s25, $0xb8;
	[tilespmem:$0x1E000] =	vst v63  }
0x86: {  	s20 =	smov.u32 s19  }
0x87: {  	p0 =	sne.s32 s19, $0x3800;
	s19 =	sadd.s32 $0x400, s19;
	_ =	swait.ge [sflag:s2], $0x2000  }
0x88: {  	s20 =	sshra.s32 s20, $0x2;
	[sflag:s2] =	ssyncset.done $0x0  }
0x89: {  	s8 =	sadd.s32 $0x15000, s20;
	[sflag:s2] =	ssyncadd.s32 $0xFFFFE000  }
0x8a: {  	[spmem:s3] =	stream.indirect.scatter.add.f32 [tilespmem:s21], [sflag:$0x5], $0x80, s8, s25, $0xb8;
	[tilespmem:$0x1E000] =	vst v63  }
0x8b: {  	_ =	swait.ge [sflag:s22], $0x2000  }
0x8c: {  	[sflag:s22] =	ssyncset.done $0x0  }
0x8d: {  	s8 =	sadd.s32 $0x14100, s20;
	[sflag:s22] =	ssyncadd.s32 $0xFFFFE000  }
0x8e: {  	[tilespmem:s21], [sflag:$0x1] =	stream.indirect.gather [hbm4b:s0+s25], $0x80, s8, s25, $0xb8;
	[tilespmem:$0x1E000] =	vst v63  }
0x8f: {  	_ =	swait.ge [sflag:s10], $0x2000  }
0x90: {  	[sflag:s10] =	ssyncset.done $0x0  }
0x91: {  	s8 =	sadd.s32 $0x15040, s20;
	[sflag:s10] =	ssyncadd.s32 $0xFFFFE000  }
0x92: {  	[spmem:s3] =	stream.indirect.scatter.add.f32 [tilespmem:s28], [sflag:$0x5], $0x80, s8, s25, $0xb8;
	[tilespmem:$0x1E000] =	vst v63  }
0x93: {  	_ =	swait.ge [sflag:s22], $0x2000  }
0x94: {  	[sflag:s22] =	ssyncset.done $0x0  }
0x95: {  	s8 =	sadd.s32 $0x14140, s20;
	[sflag:s22] =	ssyncadd.s32 $0xFFFFE000  }
0x96: {  	[tilespmem:s28], [sflag:$0x2] =	stream.indirect.gather [hbm4b:s0+s25], $0x80, s8, s25, $0xb8;
	[tilespmem:$0x1E000] =	vst v63  }
0x97: {  	_ =	swait.ge [sflag:s11], $0x2000  }
0x98: {  	[sflag:s11] =	ssyncset.done $0x0  }
0x99: {  	s8 =	sadd.s32 $0x15080, s20;
	[sflag:s11] =	ssyncadd.s32 $0xFFFFE000  }
0x9a: {  	[spmem:s3] =	stream.indirect.scatter.add.f32 [tilespmem:s30], [sflag:$0x5], $0x80, s8, s25, $0xb8;
	[tilespmem:$0x1E000] =	vst v63  }
0x9b: {  	_ =	swait.ge [sflag:s22], $0x2000  }
0x9c: {  	[sflag:s22] =	ssyncset.done $0x0  }
0x9d: {  	s8 =	sadd.s32 $0x14180, s20;
	[sflag:s22] =	ssyncadd.s32 $0xFFFFE000  }
0x9e: {  	[tilespmem:s30], [sflag:$0x3] =	stream.indirect.gather [hbm4b:s0+s25], $0x80, s8, s25, $0xb8;
	[tilespmem:$0x1E000] =	vst v63  }
0x9f: {  	_ =	swait.ge [sflag:s12], $0x2000  }
0xa0: {  	[sflag:s12] =	ssyncset.done $0x0  }
.Ltmp1:
0xa1: {  	s8 =	sadd.s32 $0x150C0, s20;
	[sflag:s12] =	ssyncadd.s32 $0xFFFFE000;
	(pc) =	sbr.rel @p0 .LBB2_5-.Ltmp1, $4  }
0xa2: {  	[spmem:s3] =	stream.indirect.scatter.add.f32 [tilespmem:s1], [sflag:$0x5], $0x80, s8, s25, $0xb8;
	[tilespmem:$0x1E000] =	vst v63  }
0xa3: {  	_ =	swait.ge [sflag:s22], $0x2000  }
0xa4: {  	[sflag:s22] =	ssyncset.done $0x0  }
0xa5: {  	s20 =	sadd.s32 $0x141C0, s20;
	[sflag:s22] =	ssyncadd.s32 $0xFFFFE000  }
0xa6: {  	[tilespmem:s1], [sflag:$0x4] =	stream.indirect.gather [hbm4b:s0+s25], $0x80, s20, s25, $0xb8;
	[tilespmem:$0x1E000] =	vst v63  }
0xa7: {  	_ =	swait.ge [sflag:s2], $0x2000  }
0xa8: {  	[sflag:s2] =	ssyncset.done $0x0  }
0xa9: {  	[sflag:s2] =	ssyncadd.s32 $0xFFFFE000  }
0xaa: {  	[spmem:s3] =	stream.indirect.scatter.add.f32 [tilespmem:s21], [sflag:$0x5], $0x80, s13, s25, $0xb8;
	[tilespmem:$0x1E000] =	vst v63  }
0xab: {  	_ =	swait.ge [sflag:s22], $0x2000  }
0xac: {  	[sflag:s22] =	ssyncset.done $0x0  }
0xad: {  	[sflag:s22] =	ssyncadd.s32 $0xFFFFE000  }
0xae: {  	_ =	swait.ge [sflag:s10], $0x2000  }
0xaf: {  	[sflag:s10] =	ssyncset.done $0x0  }
0xb0: {  	[sflag:s10] =	ssyncadd.s32 $0xFFFFE000  }
0xb1: {  	[spmem:s3] =	stream.indirect.scatter.add.f32 [tilespmem:s28], [sflag:$0x5], $0x80, s14, s25, $0xb8;
	[tilespmem:$0x1E000] =	vst v63  }
0xb2: {  	_ =	swait.ge [sflag:s22], $0x2000  }
0xb3: {  	[sflag:s22] =	ssyncset.done $0x0  }
0xb4: {  	[sflag:s22] =	ssyncadd.s32 $0xFFFFE000  }
0xb5: {  	_ =	swait.ge [sflag:s11], $0x2000  }
0xb6: {  	[sflag:s11] =	ssyncset.done $0x0  }
0xb7: {  	[sflag:s11] =	ssyncadd.s32 $0xFFFFE000  }
0xb8: {  	[spmem:s3] =	stream.indirect.scatter.add.f32 [tilespmem:s30], [sflag:$0x5], $0x80, s15, s25, $0xb8;
	[tilespmem:$0x1E000] =	vst v63  }
0xb9: {  	_ =	swait.ge [sflag:s22], $0x2000  }
0xba: {  	[sflag:s22] =	ssyncset.done $0x0  }
0xbb: {  	[sflag:s22] =	ssyncadd.s32 $0xFFFFE000  }
0xbc: {  	s18 =	sadd.s32 $0x1, s18;
	_ =	swait.ge [sflag:s12], $0x2000  }
0xbd: {  	p0 =	sne.s32 s18, $0x5;
	[sflag:s12] =	ssyncset.done $0x0  }
.Ltmp2:
0xbe: {  	[sflag:s12] =	ssyncadd.s32 $0xFFFFE000;
	(pc) =	sbr.rel @p0 .LBB2_4-.Ltmp2, $4  }
0xbf: {  	[spmem:s3] =	stream.indirect.scatter.add.f32 [tilespmem:s1], [sflag:$0x5], $0x80, s16, s25, $0xb8;
	[tilespmem:$0x1E000] =	vst v63  }
0xc0: {  	_ =	swait.ge [sflag:s22], $0x2000  }
0xc1: {  	[sflag:s22] =	ssyncset.done $0x0  }
0xc2: {  	[sflag:s22] =	ssyncadd.s32 $0xFFFFE000  }
0xc3: {  	s8 =	stileid.u32;
	[bflag:$0x0] =	sbarrier.arrive $0xFFFF  }
0xc4: {  	s8 =	sshll.u32 s8, $0x6;
	s19 =	rddreg [dreg:$0x4]  }
0xc5: {  	s18 =	rddreg [dreg:$0x5];
	s8 =	sor.u32 $0x1C05, s8;
	s17 =	sshrl.u32 s19, $0x3  }
0xc6: {  	[hbm:s18], [sflag:s8] =	dma.local [spmem:s17], $0x2800  }
0xc7: {  	_ =	swait.ge [sflag:s22], $0x2800  }
0xc8: {  	s4 =	sadd.s32 $0x1, s4;
	s20 =	rddreg [dreg:$0x6]  }
0xc9: {  	p0 =	sne.s32 s4, s20  }
.Ltmp3:
0xca: {  	_ = 	snop;
	(pc) =	sbr.rel @p0 .LBB2_1-.Ltmp3, $3  }
0xcb: {  	_ =	sdelay $0x1  }
0xcc: {  	[sflag:s22] =	ssyncset.done $0x0  }
0xcd: {  	[sflag:s22] =	ssyncadd.s32 $0xFFFFD800  }
0xce: {  	_ =	sfence.sel $0x180000  }
0xcf: {  	[bflag:$0x0] =	sbarrier.arrive $0xFFFF  }
0xd0: {  	_ =	strace $0x90000047  }
0xd1: {  	s0 =	stileid.u32;
	[bflag:$0x2] =	sbarrier.arrive $0xFFFF  }
0xd2: {  	p0 =	sne.s32 s0, $0x0;
	s0 =	rddreg [dreg:$0x3]  }
0xd3: {  	s0 =	sadd.s32 @!p0 $0x100000, s0  }
0xd4: {  	[sflag:s0] =	ssyncadd.tile.s32 @!p0 $0x1;
	_ =	shalt  }
.Lfunc_end2:
_tile_overlayer_lowered:
.L_overlay_start_2:
0xd5: {  	(tag) =	ssettag $0x2  }
0xd6: {  	s0 =	rddreg [dreg:$0x0];
	s2 =	stileid.u32  }
0xd7: {  	s1 =	rddreg [dreg:$0x1];
	p0 =	sne.s32 s2, $0x0  }
0xd8: {  	s3 =	rddreg [dreg:$0x2];
	[bflag:$0x3] =	sbarrier.arrive $0xFFFF;
	s2 =	simm.s32 @!p0 $0x1C05  }
0xd9: {  	[timem:s3], [sflag:s2] =	dma.local @!p0 [hbm:s0], s1  }
0xda: {  	s0 =	simm.s32 @!p0 $0x5  }
0xdb: {  	_ =	swait.ge @!p0 [sflag:s0], s1  }
0xdc: {  	s1 =	ssub.s32 @!p0 $0x0, s1;
	[sflag:s0] =	ssyncset.done @!p0 $0x0  }
0xdd: {  	[sflag:s0] =	ssyncadd.s32 @!p0 s1  }
0xde: {  	[bflag:$0x3] =	sbarrier.arrive $0xFFFF  }
0xdf: {  	_ =	shalt  }

// kernel: kernel.9.cloned.1.call-start
scs
__scs_entry_jumppad:
0x0: {  	(pc) =	sbr.rel $0x88, $3  }
0x1: {  	(tag) =	ssettag $0x0;
	lr =	simm.s32 $0x1  }
0x2: {  	[smem:$0x3F94] =	sst lr;
	_ =	strace $0xD0000000  }
0x3: {  	_ = 	snop  }
0x4: {  	_ = 	snop  }
0x5: {  	_ = 	snop  }
0x6: {  	_ = 	snop  }
0x7: {  	_ = 	snop  }
__scs_overlays_trampoline_lowered:
0x8: {  	[smem:$0x3FA3] =	sst s0  }
0x9: {  	[smem:$0x3FA4] =	sst s1  }
0xa: {  	[smem:$0x3FA5] =	sst s2  }
0xb: {  	[smem:$0x3FA6] =	sst s3  }
0xc: {  	[smem:$0x3FA7] =	sst s4  }
0xd: {  	[smem:$0x3FA8] =	sst s5  }
0xe: {  	[smem:$0x3FA9] =	sst s6  }
0xf: {  	[smem:$0x3FAA] =	sst s7  }
0x10: {  	[smem:$0x3FAB] =	sst s8  }
0x11: {  	[smem:$0x3FAC] =	sst s9;
	s0 =	simm.s32 @!p0 $0x0  }
0x12: {  	s1 =	sld [smem:$0x3F92];
	s0 =	simm.s32 @p0 $0x1  }
0x13: {  	[smem:$0x3FAD] =	sst s0;
	s0 =	simm.s32 @!p1 $0x0  }
0x14: {  	s2 =	sld [smem:$0x3F91];
	s0 =	simm.s32 @p1 $0x1  }
0x15: {  	[smem:$0x3FAE] =	sst s0;
	s0 =	simm.s32 @!p2 $0x0  }
0x16: {  	s3 =	sld [smem:$0x3FDB];
	s0 =	simm.s32 @p2 $0x1  }
0x17: {  	s4 =	simm.s32 $0x1BF5;
	[smem:$0x3FB0] =	sst s0  }
0x18: {  	s0 =	sld [smem:$0x3F93];
	_ =	swait.ge [sflag:s4], $0x0  }
0x19: {  	s7 =	sld [smem:$0x3F94]  }
0x1a: {  	s8 =	sadd.s32 $0xFFFFE003, lr  }
0x1b: {  	s9 =	sadd.s32 $0xFFFFFEF7, lr;
	s5 =	simm.s32 $0xFFFFFFFF;
	p2 =	slt.u32 s8, $0xFFFFF086  }
0x1c: {  	p1 =	slt.u32 s9, $0xF7A;
	s5 =	simm.s32 @!p2 $0x0  }
0x1d: {  	s5 =	simm.s32 @p1 $0x1;
	p0 =	seq.s32 s7, s2  }
0x1e: {  	s7 =	smul.u32 @!p0 $0xF7A, s2;
	p2 =	seq.s32 @!p0 s5, $0x0  }
0x1f: {  	s9 =	smul.u32 $0xF7A, s1;
	s8 =	simm.s32 @!p0 $0x1BF5;
	p2 =	por !p2, p0  }
0x20: {  	[sflag:s8] =	ssyncset.s32 @!p0 $0xFFFFF086;
	s6 =	sadd.s32 @!p0 s3, s7;
	s7 =	simm.s32 @!p0 $0x108  }
0x21: {  	s3 =	sadd.s32 s3, s9;
	s6 =	sadd.s32 @!p0 $0x88, s6;
	s7 =	simm.s32 @p2 $0x1082  }
0x22: {  	[simem:s7], [sflag:s8] =	dma.local @!p0 [hbm:s6], $0xF7A  }
0x23: {  	s9 =	sor.u32 $0xD0000000, s2;
	s6 =	simm.s32 $0x108;
	_ =	swait.ge @!p0 [sflag:s8], $0x0  }
0x24: {  	s3 =	sadd.s32 $0x88, s3;
	s6 =	simm.s32 @!p1 $0x1082;
	[sflag:s4] =	ssyncset.s32 $0xFFFFF086  }
0x25: {  	[simem:s6], [sflag:s4] =	dma.local [hbm:s3], $0xF7A  }
0x26: {  	[smem:$0x3F94] =	sst s1;
	(tag) =	ssettag s2;
	_ =	strace s9  }
0x27: {  	s1 =	sld [smem:$0x3FA4]  }
0x28: {  	s2 =	sld [smem:$0x3FA5]  }
0x29: {  	s4 =	sld [smem:$0x3FA7]  }
0x2a: {  	p0 =	seq.s32 s5, $0x0;
	s5 =	sld [smem:$0x3FA8]  }
0x2b: {  	s6 =	sld [smem:$0x3FA9]  }
0x2c: {  	s7 =	sld [smem:$0x3FAA]  }
0x2d: {  	s3 =	simm.s32 $0x108;
	s8 =	sld [smem:$0x3FAB]  }
0x2e: {  	s3 =	simm.s32 @!p0 $0x1082;
	s9 =	sld [smem:$0x3FAC]  }
0x2f: {  	lr =	sadd.s32 s0, s3;
	s0 =	sld [smem:$0x3FA3]  }
0x30: {  	s3 =	sld [smem:$0x3FA6]  }
0x31: {  	[smem:$0x3FAF] =	sst s10  }
0x32: {  	s10 =	sld [smem:$0x3FAD];
	_ =	sdelay $0x3  }
0x33: {  	p0 =	seq.s32 s10, $0x1;
	s10 =	sld [smem:$0x3FAF];
	_ =	sdelay $0x3  }
0x34: {  	[smem:$0x3FAF] =	sst s10  }
0x35: {  	s10 =	sld [smem:$0x3FAE];
	_ =	sdelay $0x3  }
0x36: {  	p1 =	seq.s32 s10, $0x1;
	s10 =	sld [smem:$0x3FAF];
	_ =	sdelay $0x3  }
0x37: {  	[smem:$0x3FAF] =	sst s10  }
0x38: {  	s10 =	sld [smem:$0x3FB0]  }
0x39: {  	_ = 	snop;
	(pc) =	sbr.ind lr, $3  }
0x3a: {  	_ = 	snop  }
0x3b: {  	_ = 	snop  }
0x3c: {  	p2 =	seq.s32 s10, $0x1;
	s10 =	sld [smem:$0x3FAF]  }
0x3d: {  	_ =	shalt  }
0x3e: {  	_ =	shalt  }
0x3f: {  	_ =	shalt  }
0x40: {  	_ =	shalt  }
0x41: {  	_ =	shalt  }
0x42: {  	_ =	shalt  }
0x43: {  	_ =	shalt  }
0x44: {  	_ =	shalt  }
0x45: {  	_ =	shalt  }
0x46: {  	_ =	shalt  }
0x47: {  	_ =	shalt  }
0x48: {  	_ =	shalt  }
0x49: {  	_ =	shalt  }
0x4a: {  	_ =	shalt  }
0x4b: {  	_ =	shalt  }
0x4c: {  	_ =	shalt  }
0x4d: {  	_ =	shalt  }
0x4e: {  	_ =	shalt  }
0x4f: {  	_ =	shalt  }
0x50: {  	_ =	shalt  }
0x51: {  	_ =	shalt  }
0x52: {  	_ =	shalt  }
0x53: {  	_ =	shalt  }
0x54: {  	_ =	shalt  }
0x55: {  	_ =	shalt  }
0x56: {  	_ =	shalt  }
0x57: {  	_ =	shalt  }
0x58: {  	_ =	shalt  }
0x59: {  	_ =	shalt  }
0x5a: {  	_ =	shalt  }
0x5b: {  	_ =	shalt  }
0x5c: {  	_ =	shalt  }
0x5d: {  	_ =	shalt  }
0x5e: {  	_ =	shalt  }
0x5f: {  	_ =	shalt  }
0x60: {  	_ =	shalt  }
0x61: {  	_ =	shalt  }
0x62: {  	_ =	shalt  }
0x63: {  	_ =	shalt  }
0x64: {  	_ =	shalt  }
0x65: {  	_ =	shalt  }
0x66: {  	_ =	shalt  }
0x67: {  	_ =	shalt  }
0x68: {  	_ =	shalt  }
0x69: {  	_ =	shalt  }
0x6a: {  	_ =	shalt  }
0x6b: {  	_ =	shalt  }
0x6c: {  	_ =	shalt  }
0x6d: {  	_ =	shalt  }
0x6e: {  	_ =	shalt  }
0x6f: {  	_ =	shalt  }
0x70: {  	_ =	shalt  }
0x71: {  	_ =	shalt  }
0x72: {  	_ =	shalt  }
0x73: {  	_ =	shalt  }
0x74: {  	_ =	shalt  }
0x75: {  	_ =	shalt  }
0x76: {  	_ =	shalt  }
0x77: {  	_ =	shalt  }
0x78: {  	_ =	shalt  }
0x79: {  	_ =	shalt  }
0x7a: {  	_ =	shalt  }
0x7b: {  	_ =	shalt  }
0x7c: {  	_ =	shalt  }
0x7d: {  	_ =	shalt  }
0x7e: {  	_ =	shalt  }
0x7f: {  	_ =	shalt  }
0x80: {  	_ =	shalt  }
0x81: {  	_ =	shalt  }
0x82: {  	_ =	shalt  }
0x83: {  	_ =	shalt  }
0x84: {  	_ =	shalt  }
0x85: {  	_ =	shalt  }
0x86: {  	_ =	shalt  }
0x87: {  	_ =	shalt  }
.Lfunc_end0:
.L_simem_size_0:
called_computation.1_lowered:
.L_overlay_start_0:
0x88: {  	s2 =	sld [smem:$0x3FD9]  }
0x89: {  	s3 =	sld [smem:$0x3FFE];
	_ =	sdelay $0x1  }
0x8a: {  	s1 =	srdreg.scid  }
0x8b: {  	s0 =	sand.u32 $0x1, s1  }
0x8c: {  	s17 =	sshll.u32 s0, $0xA;
	s2 =	sadd.s32 s3, s2  }
0x8d: {  	s2 =	sadd.s32 s2, s17  }
0x8e: {  	[smem:$0x3FBB] =	sst s2  }
0x8f: {  	_ = 	snop  }
0x90: {  	(tm) =	ssettm $0x1  }
0x91: {  	s18 =	sld [smem:$0x3FFB];
	_ =	sdelay $0x3  }
0x92: {  	_ =	strace s18  }
0x93: {  	s2 =	sld [smem:$0x3FFC];
	_ =	sdelay $0x3  }
0x94: {  	_ =	strace s2  }
0x95: {  	s2 =	sld [smem:$0x3FFD];
	_ =	sdelay $0x3  }
0x96: {  	_ =	strace s2  }
0x97: {  	_ =	strace $0x8FFFFFFF  }
0x98: {  	s19 =	sld [smem:$0x3FDB];
	_ =	sdelay $0x1  }
0x99: {  	s20 =	simm.s32 $_scs_section_size  }
0x9a: {  	s4 =	simm.s32 $_size__tile_overlayer_lowered;
	s5 =	simm.s32 $_tile_overlayer_lowered  }
0x9b: {  	s6 =	simm.s32 $0x1BFF;
	s21 =	sshll.u32 s5, $0x1;
	s3 =	sadd.s32 s20, s19  }
0x9c: {  	s22 =	simm.s32 $0x0;
	s4 =	sshll.u32 s4, $0x1;
	s5 =	sadd.s32 s21, s3  }
0x9d: {  	[timem:s22], [sflag:s6] =	dma.local [hbm:s5], s4  }
0x9e: {  	_ =	swait.ge [sflag:s6], s4  }
0x9f: {  	s4 =	ssub.s32 $0x0, s4;
	[sflag:s6] =	ssyncset.done $0x0  }
0xa0: {  	[sflag:s6] =	ssyncadd.s32 s4;
	_ =	sdelay $0x1  }
0xa1: {  	s23 =	simm.s32 $0x1B8B  }
0xa2: {  	_ =	swait.ge [sflag:s23], $0x1  }
0xa3: {  	[sflag:s23] =	ssyncset.done $0x0  }
0xa4: {  	[sflag:s23] =	ssyncadd.s32 $0xFFFFFFFF  }
0xa5: {  	s4 =	sld [smem:$0x0]  }
0xa6: {  	s5 =	sand.u32 $0xFFFFFFFE, s1  }
0xa7: {  	p0 =	sne.s32 s1, s5  }
0xa8: {  	s5 =	sshll.u32 @p0 s5, $0xE  }
0xa9: {  	s5 =	sadd.s32 @p0 $0x11B8D, s5;
	s6 =	sshll.u32 @p0 s4, $0x11  }
0xaa: {  	s5 =	sor.u32 @p0 s6, s5  }
0xab: {  	[sflag:s5] =	ssyncadd.remote.s32 @p0 $0x1;
	_ =	sdelay $0x1  }
0xac: {  	s5 =	simm.s32 @p0 $0x1B8D  }
0xad: {  	_ =	swait.eq @p0 [sflag:s5], $0x1  }
0xae: {  	[sflag:s5] =	ssyncadd.s32 @p0 $0xFFFFFFFF  }
0xaf: {  	s6 =	sshll.u32 @!p0 s1, $0xE  }
0xb0: {  	s6 =	sor.u32 @!p0 $0x4000, s6;
	s5 =	simm.s32 @!p0 $0x1B8D  }
0xb1: {  	s4 =	sshll.u32 @!p0 s4, $0x11;
	s6 =	sadd.s32 @!p0 $0x11B8D, s6;
	_ =	swait.eq @!p0 [sflag:s5], $0x1  }
0xb2: {  	s4 =	sor.u32 @!p0 s4, s6;
	[sflag:s5] =	ssyncadd.s32 @!p0 $0xFFFFFFFF  }
0xb3: {  	s25 =	simm.s32 $0x1B8E;
	s24 =	sld [smem:$0x3FFE];
	[sflag:s4] =	ssyncadd.remote.s32 @!p0 $0x1  }
0xb4: {  	s26 =	simm.s32 $execute0_lowered;
	[smem:$0x3FD2] =	sst s25  }
0xb5: {  	s5 =	sshll.u32 s26, $0x1;
	_ =	strace $0x80000049;
	[dreg:$0x1] =	wrdreg $0xFFFFFFFF  }
0xb6: {  	s28 =	simm.s32 $_size_execute0_lowered;
	s3 =	sadd.s32 s3, s5;
	[dreg:$0x0] =	wrdreg $0x0  }
0xb7: {  	s5 =	sshll.u32 s28, $0x1;
	[dreg:$0x2] =	wrdreg s3  }
0xb8: {  	[dreg:$0x3] =	wrdreg s5  }
0xb9: {  	[dreg:$0x4] =	wrdreg $0xC0  }
0xba: {  	_ =	task [dreg:s22], $0x5FFFF  }
0xbb: {  	[dreg:$0x1] =	wrdreg $0xFFFFFFFF  }
0xbc: {  	[dreg:$0x0] =	wrdreg $0x60  }
0xbd: {  	[dreg:$0x2] =	wrdreg s24  }
0xbe: {  	[dreg:$0x3] =	wrdreg $0x0  }
0xbf: {  	[dreg:$0x4] =	wrdreg $0xA  }
0xc0: {  	_ =	task.clear_ibuf [dreg:s22], $0x5FFFF;
	_ =	strace $0x90000049  }
0xc1: {  	s29 =	simm.s32 $0xA;
	_ =	strace $0x8000004B  }
0xc2: {  	_ =	swait.ge [sflag:s29], $0x1  }
0xc3: {  	[sflag:s29] =	ssyncadd.s32 $0xFFFFFFFF  }
0xc4: {  	_ =	strace $0x9000004B  }
0xc5: {  	_ =	sfence  }
0xc6: {  	s30 =	sld [smem:$0x0];
	_ =	sdelay $0x2  }
0xc7: {  	s31 =	sshll.u32 s1, $0xD;
	s1 =	sshrl.u32 s1, $0x2  }
0xc8: {  	s4 =	sand.u32 $0x4000, s31;
	s1 =	sadd.s32 s1, s30  }
0xc9: {  	s0 =	sor.u32 s4, s0;
	s1 =	sshll.u32 s1, $0x11  }
0xca: {  	s0 =	sor.u32 s1, s0  }
0xcb: {  	s0 =	sadd.s32 $0x8F2B, s0  }
0xcc: {  	[sflag:s0] =	ssyncadd.remote.s32 $0x1  }
0xcd: {  	_ =	sfence.sel $0xFFFF  }
0xce: {  	[dreg:$0x0] =	wrdreg $0xFFFFFFFF;
	(pc) =	sbr.abs _section_cstart, $3  }
0xcf: {  	[dreg:$0x1] =	wrdreg $0xFFFFFFFF  }
0xd0: {  	_ =	task.clear_ibuf [dreg:s22], $0x2FFFF;
	_ =	strace $0x9FFFFFFF  }
0xd1: {  	(tm) =	ssettm $0x7FFFFFFF  }
tec
execute0_lowered:
.L_overlay_start_1:
0x0: {  	(tag) =	ssettag $0x1  }
0x1: {  	s4 =	rddreg [dreg:$0x0]  }
0x2: {  	s2 =	rddreg [dreg:$0x1]  }
0x3: {  	s0 =	srdreg.scid;
	s1 =	rddreg [dreg:$0x2];
	s3 =	simm.s32 $0x0  }
0x4: {  	s12 =	simm.s32 $0x14400;
	s13 =	simm.s32 $0x1;
	s14 =	simm.s32 $0x14000  }
0x5: {  	s15 =	simm.s32 $0x80;
	s16 =	simm.s32 $0x14080;
	s5 =	sand.u32 $0x1, s0  }
0x6: {  	s17 =	simm.s32 $0x14100;
	s0 =	stileid.u32;
	s6 =	smul.u32 $0x28000, s5  }
0x7: {  	s18 =	simm.s32 $0x14180;
	s19 =	simm.s32 $0x14200;
	s7 =	smul.u32 $0x2800, s0  }
0x8: {  	s20 =	simm.s32 $0x14280;
	s21 =	simm.s32 $0x14300;
	s8 =	smul.u32 $0x140000, s5  }
0x9: {  	s22 =	simm.s32 $0x14380;
	[smem:$0x7FF] =	sst s3;
	s9 =	smul.u32 $0x14000, s0  }
0xa: {  	s23 =	simm.s32 $0x0;
	_ =	strace $0x8000004A;
	s26 =	smul.u32 $0x50000, s0  }
0xb: {  	s5 =	ssub.s32 $0x2, s5;
	s6 =	sadd.s32 s7, s6;
	s25 =	sadd.s32 s9, s8  }
0xc: {  	s29 =	sshrl.u32 s5, $0x1;
	s6 =	sshrl.u32 s6, $0x3;
	s28 =	sshrl.u32 s25, $0x3  }
0xd: {  	s30 =	sshrl.u32 s26, $0x2;
	s11 =	sadd.s32 s6, s4;
	s6 =	sadd.s32 s28, s4  }
0xe: {  	s31 =	ssub.s32 s5, s29;
	s4 =	sadd.s32 s30, s2;
	s5 =	sadd.s32 $0x7AC00, s6  }
0xf: {  	s6 =	smax.u32 s31, $0x1;
	s7 =	sadd.s32 $0x4000, s4;
	s8 =	sadd.s32 $0x8000, s4  }
0x10: {  	v0 =	vimm.f32 $0.0e+00;
	v1 =	vimm.f32 $1.000000000e+00;
	s9 =	sadd.s32 $0xC000, s4;
	s10 =	sadd.s32 $0x10000, s4;
	s11 =	sadd.s32 $0xCC00, s11  }
.LBB2_1:
0x11: {  	s24 =	simm.s32 $0x0;
	s25 =	simm.s32 $0x200  }
.LBB2_2:
0x12: {  	p0 =	sne.s32 s25, $0xFE00;
	[tilespmem:s24+$0x14470] =	vst v0  }
0x13: {  	[tilespmem:s24+$0x14400] =	vst v0  }
0x14: {  	[tilespmem:s24+$0x14410] =	vst v0  }
.Ltmp0:
0x15: {  	[tilespmem:s24+$0x14420] =	vst v0;
	(pc) =	sbr.rel @p0 .LBB2_2-.Ltmp0, $4  }
0x16: {  	[tilespmem:s24+$0x14430] =	vst v0  }
0x17: {  	[tilespmem:s24+$0x14440] =	vst v0  }
0x18: {  	[tilespmem:s24+$0x14450] =	vst v0  }
0x19: {  	[tilespmem:s24+$0x14460] =	vst v0;
	s24 =	sshra.s32 s25, $0x2;
	s25 =	sadd.s32 $0x200, s25  }
0x1a: {  	[tilespmem:s24+$0x14470] =	vst v0  }
0x1b: {  	[tilespmem:s24+$0x14400] =	vst v0  }
0x1c: {  	[tilespmem:s24+$0x14410] =	vst v0  }
0x1d: {  	[tilespmem:s24+$0x14420] =	vst v0  }
0x1e: {  	[tilespmem:s24+$0x14430] =	vst v0  }
0x1f: {  	[tilespmem:s24+$0x14440] =	vst v0  }
0x20: {  	[tilespmem:s24+$0x14450] =	vst v0  }
0x21: {  	[tilespmem:s24+$0x14460] =	vst v0  }
0x22: {  	[spmem:s4] =	stream.linear.scatter [tilespmem:s12], [sflag:$0x1], $0x4000, $0x38;
	[tilespmem:$0x18400] =	vst v63  }
0x23: {  	_ =	swait.ge [sflag:s13], $0x4000  }
0x24: {  	[sflag:s13] =	ssyncset.done $0x0  }
0x25: {  	[sflag:s13] =	ssyncadd.s32 $0xFFFFC000  }
0x26: {  	[spmem:s7] =	stream.linear.scatter [tilespmem:s12], [sflag:$0x1], $0x4000, $0x38;
	[tilespmem:$0x18400] =	vst v63  }
0x27: {  	_ =	swait.ge [sflag:s13], $0x4000  }
0x28: {  	[sflag:s13] =	ssyncset.done $0x0  }
0x29: {  	[sflag:s13] =	ssyncadd.s32 $0xFFFFC000  }
0x2a: {  	[spmem:s8] =	stream.linear.scatter [tilespmem:s12], [sflag:$0x1], $0x4000, $0x38;
	[tilespmem:$0x18400] =	vst v63  }
0x2b: {  	_ =	swait.ge [sflag:s13], $0x4000  }
0x2c: {  	[sflag:s13] =	ssyncset.done $0x0  }
0x2d: {  	[sflag:s13] =	ssyncadd.s32 $0xFFFFC000  }
0x2e: {  	[spmem:s9] =	stream.linear.scatter [tilespmem:s12], [sflag:$0x1], $0x4000, $0x38;
	[tilespmem:$0x18400] =	vst v63  }
0x2f: {  	_ =	swait.ge [sflag:s13], $0x4000  }
0x30: {  	[sflag:s13] =	ssyncset.done $0x0  }
0x31: {  	[sflag:s13] =	ssyncadd.s32 $0xFFFFC000  }
0x32: {  	[spmem:s10] =	stream.linear.scatter [tilespmem:s12], [sflag:$0x1], $0x4000, $0x38;
	[tilespmem:$0x18400] =	vst v63  }
0x33: {  	_ =	swait.ge [sflag:s13], $0x4000  }
0x34: {  	[sflag:s13] =	ssyncset.done $0x0  }
0x35: {  	s24 =	simm.s32 $0x0;
	s25 =	simm.s32 $0x200;
	[sflag:s13] =	ssyncadd.s32 $0xFFFFC000  }
.LBB2_4:
0x36: {  	p0 =	sne.s32 s25, $0xFE00;
	[tilespmem:s24+$0x14470] =	vst v1  }
0x37: {  	[tilespmem:s24+$0x14400] =	vst v1  }
0x38: {  	[tilespmem:s24+$0x14410] =	vst v1  }
.Ltmp1:
0x39: {  	[tilespmem:s24+$0x14420] =	vst v1;
	(pc) =	sbr.rel @p0 .LBB2_4-.Ltmp1, $4  }
0x3a: {  	[tilespmem:s24+$0x14430] =	vst v1  }
0x3b: {  	[tilespmem:s24+$0x14440] =	vst v1  }
0x3c: {  	[tilespmem:s24+$0x14450] =	vst v1  }
0x3d: {  	[tilespmem:s24+$0x14460] =	vst v1;
	s24 =	sshra.s32 s25, $0x2;
	s25 =	sadd.s32 $0x200, s25  }
0x3e: {  	[tilespmem:s24+$0x14470] =	vst v1  }
0x3f: {  	[tilespmem:s24+$0x14400] =	vst v1  }
0x40: {  	[tilespmem:s24+$0x14410] =	vst v1  }
0x41: {  	[tilespmem:s24+$0x14420] =	vst v1  }
0x42: {  	[tilespmem:s24+$0x14430] =	vst v1  }
0x43: {  	[tilespmem:s24+$0x14440] =	vst v1  }
0x44: {  	[tilespmem:s24+$0x14450] =	vst v1  }
0x45: {  	[tilespmem:s24+$0x14460] =	vst v1  }
0x46: {  	s31 =	sadd.s32 $0x0, s11;
	[bflag:$0x0] =	sbarrier.arrive $0xFFFF  }
0x47: {  	[tilespmem:s14], [sflag:$0x1] =	stream.linear.gather [hbm4b:s31+s3], $0x400, $0x38;
	[tilespmem:$0x18400] =	vst v63  }
0x48: {  	_ =	swait.ge [sflag:s13], $0x400  }
0x49: {  	[sflag:s13] =	ssyncset.done $0x0  }
0x4a: {  	[sflag:s13] =	ssyncadd.s32 $0xFFFFFC00  }
0x4b: {  	[spmem:s2] =	stream.indirect.scatter.add.f32 [tilespmem:s12], [sflag:$0x1], $0x80, s14, s15, $0xb8;
	[tilespmem:$0x18400] =	vst v63  }
0x4c: {  	_ =	swait.ge [sflag:s13], $0x4000  }
0x4d: {  	[sflag:s13] =	ssyncset.done $0x0  }
0x4e: {  	[sflag:s13] =	ssyncadd.s32 $0xFFFFC000  }
0x4f: {  	[spmem:s2] =	stream.indirect.scatter.add.f32 [tilespmem:s12], [sflag:$0x1], $0x80, s16, s15, $0xb8;
	[tilespmem:$0x18400] =	vst v63  }
0x50: {  	_ =	swait.ge [sflag:s13], $0x4000  }
0x51: {  	[sflag:s13] =	ssyncset.done $0x0  }
0x52: {  	[sflag:s13] =	ssyncadd.s32 $0xFFFFC000  }
0x53: {  	[spmem:s2] =	stream.indirect.scatter.add.f32 [tilespmem:s12], [sflag:$0x1], $0x80, s17, s15, $0xb8;
	[tilespmem:$0x18400] =	vst v63  }
0x54: {  	_ =	swait.ge [sflag:s13], $0x4000  }
0x55: {  	[sflag:s13] =	ssyncset.done $0x0  }
0x56: {  	[sflag:s13] =	ssyncadd.s32 $0xFFFFC000  }
0x57: {  	[spmem:s2] =	stream.indirect.scatter.add.f32 [tilespmem:s12], [sflag:$0x1], $0x80, s18, s15, $0xb8;
	[tilespmem:$0x18400] =	vst v63  }
0x58: {  	_ =	swait.ge [sflag:s13], $0x4000  }
0x59: {  	[sflag:s13] =	ssyncset.done $0x0  }
0x5a: {  	[sflag:s13] =	ssyncadd.s32 $0xFFFFC000  }
0x5b: {  	[spmem:s2] =	stream.indirect.scatter.add.f32 [tilespmem:s12], [sflag:$0x1], $0x80, s19, s15, $0xb8;
	[tilespmem:$0x18400] =	vst v63  }
0x5c: {  	_ =	swait.ge [sflag:s13], $0x4000  }
0x5d: {  	[sflag:s13] =	ssyncset.done $0x0  }
0x5e: {  	[sflag:s13] =	ssyncadd.s32 $0xFFFFC000  }
0x5f: {  	[spmem:s2] =	stream.indirect.scatter.add.f32 [tilespmem:s12], [sflag:$0x1], $0x80, s20, s15, $0xb8;
	[tilespmem:$0x18400] =	vst v63  }
0x60: {  	_ =	swait.ge [sflag:s13], $0x4000  }
0x61: {  	[sflag:s13] =	ssyncset.done $0x0  }
0x62: {  	[sflag:s13] =	ssyncadd.s32 $0xFFFFC000  }
0x63: {  	[spmem:s2] =	stream.indirect.scatter.add.f32 [tilespmem:s12], [sflag:$0x1], $0x80, s21, s15, $0xb8;
	[tilespmem:$0x18400] =	vst v63  }
0x64: {  	_ =	swait.ge [sflag:s13], $0x4000  }
0x65: {  	[sflag:s13] =	ssyncset.done $0x0  }
0x66: {  	[sflag:s13] =	ssyncadd.s32 $0xFFFFC000  }
0x67: {  	[spmem:s2] =	stream.indirect.scatter.add.f32 [tilespmem:s12], [sflag:$0x1], $0x80, s22, s15, $0xb8;
	[tilespmem:$0x18400] =	vst v63  }
0x68: {  	_ =	swait.ge [sflag:s13], $0x4000  }
0x69: {  	s24 =	simm.s32 $0x80;
	s26 =	simm.s32 $0x100;
	[sflag:s13] =	ssyncset.done $0x0  }
.LBB2_6:
0x6a: {  	s28 =	sadd.s32 s24, s11  }
0x6b: {  	[sflag:s13] =	ssyncadd.s32 $0xFFFFC000;
	s24 =	smov.u32 s26;
	s25 =	sadd.s32 $0x80, s26  }
0x6c: {  	[tilespmem:s14], [sflag:$0x1] =	stream.linear.gather [hbm4b:s28+s3], $0x400, $0x38;
	[tilespmem:$0x18400] =	vst v63  }
0x6d: {  	p0 =	sne.s32 s26, $0x480;
	_ =	swait.ge [sflag:s13], $0x400  }
0x6e: {  	[sflag:s13] =	ssyncset.done $0x0  }
0x6f: {  	[sflag:s13] =	ssyncadd.s32 $0xFFFFFC00  }
0x70: {  	[spmem:s2] =	stream.indirect.scatter.add.f32 [tilespmem:s12], [sflag:$0x1], $0x80, s14, s15, $0xb8;
	[tilespmem:$0x18400] =	vst v63  }
0x71: {  	_ =	swait.ge [sflag:s13], $0x4000  }
0x72: {  	[sflag:s13] =	ssyncset.done $0x0  }
0x73: {  	[sflag:s13] =	ssyncadd.s32 $0xFFFFC000  }
0x74: {  	[spmem:s2] =	stream.indirect.scatter.add.f32 [tilespmem:s12], [sflag:$0x1], $0x80, s16, s15, $0xb8;
	[tilespmem:$0x18400] =	vst v63  }
0x75: {  	_ =	swait.ge [sflag:s13], $0x4000  }
0x76: {  	[sflag:s13] =	ssyncset.done $0x0  }
0x77: {  	[sflag:s13] =	ssyncadd.s32 $0xFFFFC000  }
0x78: {  	[spmem:s2] =	stream.indirect.scatter.add.f32 [tilespmem:s12], [sflag:$0x1], $0x80, s17, s15, $0xb8;
	[tilespmem:$0x18400] =	vst v63  }
0x79: {  	_ =	swait.ge [sflag:s13], $0x4000  }
0x7a: {  	[sflag:s13] =	ssyncset.done $0x0  }
0x7b: {  	[sflag:s13] =	ssyncadd.s32 $0xFFFFC000  }
0x7c: {  	[spmem:s2] =	stream.indirect.scatter.add.f32 [tilespmem:s12], [sflag:$0x1], $0x80, s18, s15, $0xb8;
	[tilespmem:$0x18400] =	vst v63  }
0x7d: {  	_ =	swait.ge [sflag:s13], $0x4000  }
0x7e: {  	[sflag:s13] =	ssyncset.done $0x0  }
0x7f: {  	[sflag:s13] =	ssyncadd.s32 $0xFFFFC000  }
0x80: {  	[spmem:s2] =	stream.indirect.scatter.add.f32 [tilespmem:s12], [sflag:$0x1], $0x80, s19, s15, $0xb8;
	[tilespmem:$0x18400] =	vst v63  }
0x81: {  	_ =	swait.ge [sflag:s13], $0x4000  }
0x82: {  	[sflag:s13] =	ssyncset.done $0x0  }
0x83: {  	[sflag:s13] =	ssyncadd.s32 $0xFFFFC000  }
0x84: {  	[spmem:s2] =	stream.indirect.scatter.add.f32 [tilespmem:s12], [sflag:$0x1], $0x80, s20, s15, $0xb8;
	[tilespmem:$0x18400] =	vst v63  }
0x85: {  	_ =	swait.ge [sflag:s13], $0x4000  }
0x86: {  	[sflag:s13] =	ssyncset.done $0x0  }
0x87: {  	[sflag:s13] =	ssyncadd.s32 $0xFFFFC000  }
0x88: {  	[spmem:s2] =	stream.indirect.scatter.add.f32 [tilespmem:s12], [sflag:$0x1], $0x80, s21, s15, $0xb8;
	[tilespmem:$0x18400] =	vst v63  }
0x89: {  	_ =	swait.ge [sflag:s13], $0x4000  }
.Ltmp2:
0x8a: {  	[sflag:s13] =	ssyncset.done $0x0;
	(pc) =	sbr.rel @p0 .LBB2_6-.Ltmp2, $4  }
0x8b: {  	[sflag:s13] =	ssyncadd.s32 $0xFFFFC000  }
0x8c: {  	[spmem:s2] =	stream.indirect.scatter.add.f32 [tilespmem:s12], [sflag:$0x1], $0x80, s22, s15, $0xb8;
	[tilespmem:$0x18400] =	vst v63  }
0x8d: {  	_ =	swait.ge [sflag:s13], $0x4000  }
0x8e: {  	s26 =	smov.u32 s25;
	[sflag:s13] =	ssyncset.done $0x0  }
0x8f: {  	s24 =	sadd.s32 s24, s11;
	[sflag:s13] =	ssyncadd.s32 $0xFFFFC000  }
0x90: {  	[tilespmem:s14], [sflag:$0x1] =	stream.linear.gather [hbm4b:s24+s3], $0x400, $0x38;
	[tilespmem:$0x18400] =	vst v63  }
0x91: {  	_ =	swait.ge [sflag:s13], $0x400  }
0x92: {  	[sflag:s13] =	ssyncset.done $0x0  }
0x93: {  	[sflag:s13] =	ssyncadd.s32 $0xFFFFFC00  }
0x94: {  	[spmem:s2] =	stream.indirect.scatter.add.f32 [tilespmem:s12], [sflag:$0x1], $0x80, s14, s15, $0xb8;
	[tilespmem:$0x18400] =	vst v63  }
0x95: {  	_ =	swait.ge [sflag:s13], $0x4000  }
0x96: {  	[sflag:s13] =	ssyncset.done $0x0  }
0x97: {  	[sflag:s13] =	ssyncadd.s32 $0xFFFFC000  }
0x98: {  	[spmem:s2] =	stream.indirect.scatter.add.f32 [tilespmem:s12], [sflag:$0x1], $0x80, s16, s15, $0xb8;
	[tilespmem:$0x18400] =	vst v63  }
0x99: {  	_ =	swait.ge [sflag:s13], $0x4000  }
0x9a: {  	[sflag:s13] =	ssyncset.done $0x0  }
0x9b: {  	[sflag:s13] =	ssyncadd.s32 $0xFFFFC000  }
0x9c: {  	[spmem:s2] =	stream.indirect.scatter.add.f32 [tilespmem:s12], [sflag:$0x1], $0x80, s17, s15, $0xb8;
	[tilespmem:$0x18400] =	vst v63  }
0x9d: {  	_ =	swait.ge [sflag:s13], $0x4000  }
0x9e: {  	[sflag:s13] =	ssyncset.done $0x0  }
0x9f: {  	[sflag:s13] =	ssyncadd.s32 $0xFFFFC000  }
0xa0: {  	[spmem:s2] =	stream.indirect.scatter.add.f32 [tilespmem:s12], [sflag:$0x1], $0x80, s18, s15, $0xb8;
	[tilespmem:$0x18400] =	vst v63  }
0xa1: {  	_ =	swait.ge [sflag:s13], $0x4000  }
0xa2: {  	[sflag:s13] =	ssyncset.done $0x0  }
0xa3: {  	[sflag:s13] =	ssyncadd.s32 $0xFFFFC000  }
0xa4: {  	[spmem:s2] =	stream.indirect.scatter.add.f32 [tilespmem:s12], [sflag:$0x1], $0x80, s19, s15, $0xb8;
	[tilespmem:$0x18400] =	vst v63  }
0xa5: {  	_ =	swait.ge [sflag:s13], $0x4000  }
0xa6: {  	[sflag:s13] =	ssyncset.done $0x0  }
0xa7: {  	[sflag:s13] =	ssyncadd.s32 $0xFFFFC000  }
0xa8: {  	[spmem:s2] =	stream.indirect.scatter.add.f32 [tilespmem:s12], [sflag:$0x1], $0x80, s20, s15, $0xb8;
	[tilespmem:$0x18400] =	vst v63  }
0xa9: {  	_ =	swait.ge [sflag:s13], $0x4000  }
0xaa: {  	[sflag:s13] =	ssyncset.done $0x0  }
0xab: {  	[sflag:s13] =	ssyncadd.s32 $0xFFFFC000  }
0xac: {  	[spmem:s2] =	stream.indirect.scatter.add.f32 [tilespmem:s12], [sflag:$0x1], $0x80, s21, s15, $0xb8;
	[tilespmem:$0x18400] =	vst v63  }
0xad: {  	_ =	swait.ge [sflag:s13], $0x4000  }
0xae: {  	[sflag:s13] =	ssyncset.done $0x0  }
0xaf: {  	[sflag:s13] =	ssyncadd.s32 $0xFFFFC000  }
0xb0: {  	[spmem:s2] =	stream.indirect.scatter.add.f32 [tilespmem:s12], [sflag:$0x1], $0x80, s22, s15, $0xb8;
	[tilespmem:$0x18400] =	vst v63  }
0xb1: {  	_ =	swait.ge [sflag:s13], $0x4000  }
0xb2: {  	s31 =	sshll.u32 s0, $0x6;
	s23 =	sadd.s32 $0x1, s23;
	[sflag:s13] =	ssyncset.done $0x0  }
0xb3: {  	s25 =	sshrl.u32 s4, $0x3;
	p0 =	sne.s32 s23, s6;
	[sflag:s13] =	ssyncadd.s32 $0xFFFFC000  }
.Ltmp3:
0xb4: {  	s24 =	sor.u32 $0x1C01, s31;
	[bflag:$0x0] =	sbarrier.arrive $0xFFFF;
	(pc) =	sbr.rel @p0 .LBB2_1-.Ltmp3, $4  }
0xb5: {  	[hbm:s5], [sflag:s24] =	dma.local [spmem:s25], $0x2800  }
0xb6: {  	_ =	swait.ge [sflag:s13], $0x2800  }
0xb7: {  	[sflag:s13] =	ssyncset.done $0x0  }
0xb8: {  	[sflag:s13] =	ssyncadd.s32 $0xFFFFD800  }
0xb9: {  	_ =	sfence.sel $0x180000  }
0xba: {  	[bflag:$0x0] =	sbarrier.arrive $0xFFFF  }
0xbb: {  	p0 =	sne.s32 s0, $0x0;
	_ =	strace $0x9000004A  }
0xbc: {  	s0 =	sadd.s32 @!p0 $0x100000, s1;
	[bflag:$0x2] =	sbarrier.arrive $0xFFFF  }
0xbd: {  	[sflag:s0] =	ssyncadd.tile.s32 @!p0 $0x1;
	_ =	shalt  }
.Lfunc_end2:
_tile_overlayer_lowered:
.L_overlay_start_2:
0xbe: {  	(tag) =	ssettag $0x2  }
0xbf: {  	s0 =	rddreg [dreg:$0x0];
	s2 =	stileid.u32  }
0xc0: {  	s1 =	rddreg [dreg:$0x1];
	p0 =	sne.s32 s2, $0x0  }
0xc1: {  	s3 =	rddreg [dreg:$0x2];
	[bflag:$0x3] =	sbarrier.arrive $0xFFFF;
	s2 =	simm.s32 @!p0 $0x1C01  }
0xc2: {  	[timem:s3], [sflag:s2] =	dma.local @!p0 [hbm:s0], s1  }
0xc3: {  	s0 =	simm.s32 @!p0 $0x1  }
0xc4: {  	_ =	swait.ge @!p0 [sflag:s0], s1  }
0xc5: {  	s1 =	ssub.s32 @!p0 $0x0, s1;
	[sflag:s0] =	ssyncset.done @!p0 $0x0  }
0xc6: {  	[sflag:s0] =	ssyncadd.s32 @!p0 s1  }
0xc7: {  	[bflag:$0x3] =	sbarrier.arrive $0xFFFF  }
0xc8: {  	_ =	shalt  }

</sc_bundles>
